<compile_context>
chip_gen: v7x
topology: tpu7x:2x2x1
jax: 0.10.2.dev20260603
libtpu: 0.0.44.dev20260713+nightly
codegen_flags: <defaults>
</compile_context>

<pallas_src>
import functools

import jax
import jax.numpy as jnp
from jax import lax
from jax.experimental import pallas as pl
from jax.experimental.pallas import tpu as pltpu
from jax.experimental.pallas import tpu_sc as plsc

NUM_CORES = 2
NUM_SUBCORES = 16
NUM_WORKERS = NUM_CORES * NUM_SUBCORES


def _node_proj_body(nodes_ref, ws_ref, wd_ref, be_ref, psrc_ref, pdst_ref):
    n = nodes_ref[...]
    psrc_ref[...] = jnp.dot(n, ws_ref[...], preferred_element_type=jnp.float32)
    pdst_ref[...] = (
        jnp.dot(n, wd_ref[...], preferred_element_type=jnp.float32) + be_ref[...]
    )


def _node_proj(nodes, w_src, w_dst, b_e, block_rows):
    n_nodes, d = nodes.shape
    h = w_src.shape[1]
    grid = (n_nodes // block_rows,)
    return pl.pallas_call(
        _node_proj_body,
        grid=grid,
        in_specs=[
            pl.BlockSpec((block_rows, d), lambda i: (i, 0)),
            pl.BlockSpec((d, h), lambda i: (0, 0)),
            pl.BlockSpec((d, h), lambda i: (0, 0)),
            pl.BlockSpec((1, h), lambda i: (0, 0)),
        ],
        out_specs=[
            pl.BlockSpec((block_rows, h), lambda i: (i, 0)),
            pl.BlockSpec((block_rows, h), lambda i: (i, 0)),
        ],
        out_shape=[
            jax.ShapeDtypeStruct((n_nodes, h), jnp.float32),
            jax.ShapeDtypeStruct((n_nodes, h), jnp.float32),
        ],
    )(nodes, w_src, w_dst, b_e.reshape(1, h))


def _eproj_body(ea_ref, wa_ref, out_ref):
    out_ref[...] = jnp.dot(
        ea_ref[...], wa_ref[...], preferred_element_type=jnp.float32
    )


def _eproj(edge_attr, w_attr, block_rows):
    e, de = edge_attr.shape
    h = w_attr.shape[1]
    grid = (e // block_rows,)
    return pl.pallas_call(
        _eproj_body,
        grid=grid,
        in_specs=[
            pl.BlockSpec((block_rows, de), lambda i: (i, 0)),
            pl.BlockSpec((de, h), lambda i: (0, 0)),
        ],
        out_specs=pl.BlockSpec((block_rows, h), lambda i: (i, 0)),
        out_shape=jax.ShapeDtypeStruct((e, h), jnp.float32),
    )(edge_attr, w_attr)


def _sc_edge_body(
    n_pad,
    h,
    chunk,
    n_chunks,
    zrows,
    psrc_hbm,
    pdst_hbm,
    eproj_hbm,
    src_hbm,
    dst_hbm,
    out_hbm,
    idx_s,
    idx_d,
    sbuf,
    dbuf,
    abuf,
    zbuf,
    agg_sh,
    sem_s,
    sem_d,
    sem_a,
):
    c = lax.axis_index("c")
    s = lax.axis_index("s")
    wid = s * NUM_CORES + c
    rows_per_tile = n_pad // NUM_SUBCORES
    edges_per_worker = chunk * n_chunks

    zero = jnp.zeros((16,), jnp.float32)

    def _zrow(i, carry):
        for j in range(h // 16):
            zbuf[i, pl.ds(j * 16, 16)] = zero
        return carry

    lax.fori_loop(0, zrows, _zrow, 0)
    for r in range(rows_per_tile // zrows):
        pltpu.sync_copy(
            zbuf, agg_sh.at[pl.ds(s * rows_per_tile + r * zrows, zrows)]
        )
    plsc.subcore_barrier()

    ebase = wid * edges_per_worker

    def _chunk(ci, carry):
        base = ebase + ci * chunk
        pltpu.sync_copy(src_hbm.at[pl.ds(base, chunk)], idx_s)
        pltpu.sync_copy(dst_hbm.at[pl.ds(base, chunk)], idx_d)
        cp_s = pltpu.async_copy(psrc_hbm.at[idx_s], sbuf, sem_s)
        cp_d = pltpu.async_copy(pdst_hbm.at[idx_d], dbuf, sem_d)
        cp_a = pltpu.async_copy(eproj_hbm.at[pl.ds(base, chunk)], abuf, sem_a)
        cp_s.wait()
        cp_d.wait()
        cp_a.wait()

        def _row(e, inner):
            for j in range(h // 16):
                sl = pl.ds(j * 16, 16)
                abuf[e, sl] = jnp.maximum(
                    abuf[e, sl] + sbuf[e, sl] + dbuf[e, sl], 0.0
                )
            return inner

        lax.fori_loop(0, chunk, _row, 0)
        pltpu.sync_copy(abuf, agg_sh.at[idx_d], add=True)
        return carry

    lax.fori_loop(0, n_chunks, _chunk, 0)
    plsc.subcore_barrier()

    out_base = c * n_pad + s * rows_per_tile
    pltpu.sync_copy(
        agg_sh.at[pl.ds(s * rows_per_tile, rows_per_tile)],
        out_hbm.at[pl.ds(out_base, rows_per_tile)],
    )


def _sc_segment_sum(psrc, pdstb, eproj, src, dst, n_pad, chunk, n_chunks,
                    zrows):
    _, h = psrc.shape
    mesh = plsc.VectorSubcoreMesh(
        core_axis_name="c",
        subcore_axis_name="s",
        num_cores=NUM_CORES,
        num_subcores=NUM_SUBCORES,
    )
    body = functools.partial(_sc_edge_body, n_pad, h, chunk, n_chunks, zrows)
    return pl.kernel(
        body,
        out_type=jax.ShapeDtypeStruct((NUM_CORES * n_pad, h), jnp.float32),
        mesh=mesh,
        scratch_types=[
            pltpu.VMEM((chunk,), jnp.int32),
            pltpu.VMEM((chunk,), jnp.int32),
            pltpu.VMEM((chunk, h), jnp.float32),
            pltpu.VMEM((chunk, h), jnp.float32),
            pltpu.VMEM((chunk, h), jnp.float32),
            pltpu.VMEM((zrows, h), jnp.float32),
            pltpu.VMEM_SHARED((n_pad, h), jnp.float32),
            pltpu.SemaphoreType.DMA,
            pltpu.SemaphoreType.DMA,
            pltpu.SemaphoreType.DMA,
        ],
    )(psrc, pdstb, eproj, src, dst)


def _node_global_body(
    n_nodes,
    n_blocks,
    nodes_ref,
    a0_ref,
    a1_ref,
    wn1_ref,
    wn2_ref,
    bn_ref,
    g_ref,
    wg1_ref,
    wg2_ref,
    bg_ref,
    nn_ref,
    gout_ref,
    acc_ref,
):
    i = pl.program_id(0)
    agg = a0_ref[...] + a1_ref[...]
    hid = jnp.dot(nodes_ref[...], wn1_ref[...], preferred_element_type=jnp.float32)
    hid += jnp.dot(agg, wn2_ref[...], preferred_element_type=jnp.float32)
    hid = jnp.maximum(hid + bn_ref[...], 0.0)
    nn_ref[...] = hid
    part = jnp.sum(hid, axis=0, keepdims=True)

    @pl.when(i == 0)
    def _():
        acc_ref[...] = part

    @pl.when(i > 0)
    def _():
        acc_ref[...] = acc_ref[...] + part

    @pl.when(i == n_blocks - 1)
    def _():
        mean8 = jnp.broadcast_to(acc_ref[...] / n_nodes, (8, acc_ref.shape[1]))
        g8 = jnp.broadcast_to(g_ref[...], (8, g_ref.shape[1]))
        out = jnp.dot(mean8, wg1_ref[...], preferred_element_type=jnp.float32)
        out += jnp.dot(g8, wg2_ref[...], preferred_element_type=jnp.float32)
        gout_ref[...] = jnp.maximum(out + bg_ref[...], 0.0)


def _node_global(nodes, agg0, agg1, w_n1, w_n2, b_n, globals_attr, w_g1, w_g2,
                 b_g, block_rows):
    n_nodes, d = nodes.shape
    h = w_n1.shape[1]
    dg = w_g1.shape[1]
    n_blocks = n_nodes // block_rows
    body = functools.partial(_node_global_body, n_nodes, n_blocks)
    return pl.pallas_call(
        body,
        grid=(n_blocks,),
        in_specs=[
            pl.BlockSpec((block_rows, d), lambda i: (i, 0)),
            pl.BlockSpec((block_rows, h), lambda i: (i, 0)),
            pl.BlockSpec((block_rows, h), lambda i: (i, 0)),
            pl.BlockSpec((d, h), lambda i: (0, 0)),
            pl.BlockSpec((h, h), lambda i: (0, 0)),
            pl.BlockSpec((1, h), lambda i: (0, 0)),
            pl.BlockSpec((1, globals_attr.shape[1]), lambda i: (0, 0)),
            pl.BlockSpec((d, dg), lambda i: (0, 0)),
            pl.BlockSpec((globals_attr.shape[1], dg), lambda i: (0, 0)),
            pl.BlockSpec((1, dg), lambda i: (0, 0)),
        ],
        out_specs=[
            pl.BlockSpec((block_rows, h), lambda i: (i, 0)),
            pl.BlockSpec((8, dg), lambda i: (0, 0)),
        ],
        out_shape=[
            jax.ShapeDtypeStruct((n_nodes, h), jnp.float32),
            jax.ShapeDtypeStruct((8, dg), jnp.float32),
        ],
        scratch_shapes=[pltpu.VMEM((1, h), jnp.float32)],
    )(nodes, agg0, agg1, w_n1, w_n2, b_n.reshape(1, h), globals_attr, w_g1,
      w_g2, b_g.reshape(1, dg))


def kernel(nodes, edge_attr, globals_attr, edge_index, W_e, b_e, W_n, b_n,
           W_g, b_g):
    n_nodes, d = nodes.shape
    e_edges, de = edge_attr.shape
    h = W_e.shape[1]
    dg = W_g.shape[1]

    w_src = W_e[:d]
    w_dst = W_e[d : 2 * d]
    w_attr = W_e[2 * d :]
    src = edge_index[0]
    dst = edge_index[1]

    psrc, pdstb = _node_proj(nodes, w_src, w_dst, b_e, block_rows=2000)
    eproj = _eproj(edge_attr, w_attr, block_rows=4000)

    chunk = 80
    n_chunks = e_edges // (NUM_WORKERS * chunk)
    n_pad = ((n_nodes + 8 * NUM_SUBCORES - 1) // (8 * NUM_SUBCORES)) * (
        8 * NUM_SUBCORES
    )
    aggp = _sc_segment_sum(psrc, pdstb, eproj, src, dst, n_pad, chunk,
                           n_chunks, zrows=128)
    agg0 = aggp[:n_nodes]
    agg1 = aggp[n_pad : n_pad + n_nodes]

    new_nodes, g8 = _node_global(
        nodes, agg0, agg1, W_n[:d], W_n[d:], b_n, globals_attr, W_g[:d],
        W_g[d:], b_g, block_rows=2000,
    )
    return new_nodes, edge_attr, g8[:1]

# --- scband reference (transcript-rebuilt; emitter-appended) ---
"""Pipeline reference for scband-message-passing-network-77129022701724 (READ-ONLY COPY).

The authoritative reference and input builder live on the scoring server;
editing this copy changes nothing except your own understanding.
"""

import jax, jax.numpy as jnp
import numpy as np

N = 10000       # nodes
E = 320000      # edges
D = 128         # node feature dim
DE = 16         # edge feature dim
DG = 128        # global feature dim
H = 128         # hidden/output dim


def setup_inputs(seed: int = 0) -> dict:
    key = jax.random.key(seed)
    ks = jax.random.split(key, 12)
    nodes = jax.random.normal(ks[0], (N, D), dtype=jnp.float32)
    edge_attr = jax.random.normal(ks[1], (E, DE), dtype=jnp.float32)
    globals_attr = jax.random.normal(ks[2], (1, DG), dtype=jnp.float32)
    edge_index = jax.random.randint(ks[3], (2, E), 0, N, dtype=jnp.int32)
    # EdgeProcessor params: MLP on [src_node, dst_node, edge_attr] -> new edges
    de_in = D + D + DE
    W_e = jax.random.normal(ks[4], (de_in, H), dtype=jnp.float32) / np.sqrt(de_in)
    b_e = jnp.zeros((H,), dtype=jnp.float32)
    # NodeProcessor params: MLP on [node, aggregated_edges] -> new nodes
    dn_in = D + H
    W_n = jax.random.normal(ks[5], (dn_in, D), dtype=jnp.float32) / np.sqrt(dn_in)
    b_n = jnp.zeros((D,), dtype=jnp.float32)
    # GlobalProcessor params: MLP on [mean(nodes), globals] -> new globals
    dg_in = D + DG
    W_g = jax.random.normal(ks[6], (dg_in, DG), dtype=jnp.float32) / np.sqrt(dg_in)
    b_g = jnp.zeros((DG,), dtype=jnp.float32)
    return {
        "nodes": nodes,
        "edge_attr": edge_attr,
        "globals_attr": globals_attr,
        "edge_index": edge_index,
        "W_e": W_e, "b_e": b_e,
        "W_n": W_n, "b_n": b_n,
        "W_g": W_g, "b_g": b_g,
    }


def reference(nodes, edge_attr, globals_attr, edge_index, W_e, b_e, W_n, b_n, W_g, b_g):
    src = edge_index[0]
    dst = edge_index[1]
    # EdgeProcessor: per-edge MLP on gathered endpoint features + edge attrs
    m = jnp.concatenate([jnp.take(nodes, src, axis=0),
                         jnp.take(nodes, dst, axis=0),
                         edge_attr], axis=-1)
    new_edges = jax.nn.relu(m @ W_e + b_e)
    # NodeProcessor: scatter-add messages to destination nodes, then MLP
    agg = jax.ops.segment_sum(new_edges, dst, num_segments=N)
    new_nodes = jax.nn.relu(jnp.concatenate([nodes, agg], axis=-1) @ W_n + b_n)
    # GlobalProcessor: mean-pool nodes (edges NOT included, per MPN) + MLP
    node_mean = jnp.mean(new_nodes, axis=0, keepdims=True)
    new_globals = jax.nn.relu(jnp.concatenate([node_mean, globals_attr], axis=-1) @ W_g + b_g)
    # output graph: new nodes, ORIGINAL edges (graph.replace(edges=input_graph.edges)), new globals
    return (new_nodes, edge_attr, new_globals)

if __name__ == "__main__":
    import jax
    _d = setup_inputs()
    print(jax.jit(kernel)(*tuple(_d.values())))

</pallas_src>

<mosaic_0001>
#map = affine_map<(d0, d1) -> (0, 0)>
#map1 = affine_map<(d0, d1) -> (0)>
module attributes {stable_mosaic.version = 14 : i64} {
  func.func @_sc_edge_body(%arg0: i32, %arg1: i32, %arg2: memref<10000x128xf32, #tpu.memory_space<hbm>>, %arg3: memref<10000x128xf32, #tpu.memory_space<hbm>>, %arg4: memref<320000x128xf32, #tpu.memory_space<hbm>>, %arg5: memref<320000xi32, #tpu.memory_space<hbm>>, %arg6: memref<320000xi32, #tpu.memory_space<hbm>>, %arg7: memref<20224x128xf32, #tpu.memory_space<hbm>>, %arg8: memref<80xi32, #tpu.memory_space<vmem>>, %arg9: memref<80xi32, #tpu.memory_space<vmem>>, %arg10: memref<80x128xf32, #tpu.memory_space<vmem>>, %arg11: memref<80x128xf32, #tpu.memory_space<vmem>>, %arg12: memref<80x128xf32, #tpu.memory_space<vmem>>, %arg13: memref<128x128xf32, #tpu.memory_space<vmem>>, %arg14: memref<10112x128xf32, #tpu.memory_space<vmem_shared>>, %arg15: memref<!tpu.dma_semaphore, #tpu.memory_space<semaphore_mem>>, %arg16: memref<!tpu.dma_semaphore, #tpu.memory_space<semaphore_mem>>, %arg17: memref<!tpu.dma_semaphore, #tpu.memory_space<semaphore_mem>>) attributes {dimension_semantics = [#tpu.dimension_semantics<core_parallel>, #tpu.dimension_semantics<subcore_parallel>], iteration_bounds = array<i64: 2, 16>, scalar_prefetch = 0 : i64, scratch_operands = 10 : i64, tpu.core_type = #tpu.core_type<sc_vector_subcore>, window_params = [{transform_indices = #map}, {transform_indices = #map}, {transform_indices = #map}, {transform_indices = #map1}, {transform_indices = #map1}, {transform_indices = #map}]} {
    %mul3A = arith.constant 2 : i32
    %mul3A_0 = arith.muli %arg1, %mul3A : i32
    %add3A = arith.addi %mul3A_0, %arg0 : i32
    %broadcast_in_dim3A = arith.constant 0.000000e+00 : f32
    %broadcast_in_dim3A_1 = vector.broadcast %broadcast_in_dim3A : f32 to vector<16xf32>
    %scan3A = arith.constant 0 : i32
    %scan3A_2 = arith.constant 0 : i32
    %scan3A_3 = arith.constant 128 : i32
    %scan3A_4 = arith.addi %scan3A_2, %scan3A_3 : i32
    %scan3A_5 = arith.constant 1 : i32
    scf.for %scan3A_39 = %scan3A_2 to %scan3A_4 step %scan3A_5  : i32 {
      %swap3A = arith.index_cast %scan3A_39 : i32 to index
      %swap3A_40 = arith.constant 0 : index
      %swap3A_41 = tpu.vector_load %arg13[%swap3A, %swap3A_40] {strides = array<i32>} : memref<128x128xf32, #tpu.memory_space<vmem>>, vector<1x16xf32>,
      %swap3A_42 = vector.shape_cast %swap3A_41 : vector<1x16xf32> to vector<16xf32>
      %swap3A_43 = vector.shape_cast %broadcast_in_dim3A_1 : vector<16xf32> to vector<1x16xf32>
      tpu.vector_store %arg13[%swap3A, %swap3A_40], %swap3A_43 {strides = array<i32>} : memref<128x128xf32, #tpu.memory_space<vmem>>, vector<1x16xf32>,
      %swap3A_44 = arith.index_cast %scan3A_39 : i32 to index
      %swap3A_45 = arith.constant 16 : index
      %swap3A_46 = tpu.vector_load %arg13[%swap3A_44, %swap3A_45] {strides = array<i32>} : memref<128x128xf32, #tpu.memory_space<vmem>>, vector<1x16xf32>,
      %swap3A_47 = vector.shape_cast %swap3A_46 : vector<1x16xf32> to vector<16xf32>
      %swap3A_48 = vector.shape_cast %broadcast_in_dim3A_1 : vector<16xf32> to vector<1x16xf32>
      tpu.vector_store %arg13[%swap3A_44, %swap3A_45], %swap3A_48 {strides = array<i32>} : memref<128x128xf32, #tpu.memory_space<vmem>>, vector<1x16xf32>,
      %swap3A_49 = arith.index_cast %scan3A_39 : i32 to index
      %swap3A_50 = arith.constant 32 : index
      %swap3A_51 = tpu.vector_load %arg13[%swap3A_49, %swap3A_50] {strides = array<i32>} : memref<128x128xf32, #tpu.memory_space<vmem>>, vector<1x16xf32>,
      %swap3A_52 = vector.shape_cast %swap3A_51 : vector<1x16xf32> to vector<16xf32>
      %swap3A_53 = vector.shape_cast %broadcast_in_dim3A_1 : vector<16xf32> to vector<1x16xf32>
      tpu.vector_store %arg13[%swap3A_49, %swap3A_50], %swap3A_53 {strides = array<i32>} : memref<128x128xf32, #tpu.memory_space<vmem>>, vector<1x16xf32>,
      %swap3A_54 = arith.index_cast %scan3A_39 : i32 to index
      %swap3A_55 = arith.constant 48 : index
      %swap3A_56 = tpu.vector_load %arg13[%swap3A_54, %swap3A_55] {strides = array<i32>} : memref<128x128xf32, #tpu.memory_space<vmem>>, vector<1x16xf32>,
      %swap3A_57 = vector.shape_cast %swap3A_56 : vector<1x16xf32> to vector<16xf32>
      %swap3A_58 = vector.shape_cast %broadcast_in_dim3A_1 : vector<16xf32> to vector<1x16xf32>
      tpu.vector_store %arg13[%swap3A_54, %swap3A_55], %swap3A_58 {strides = array<i32>} : memref<128x128xf32, #tpu.memory_space<vmem>>, vector<1x16xf32>,
      %swap3A_59 = arith.index_cast %scan3A_39 : i32 to index
      %swap3A_60 = arith.constant 64 : index
      %swap3A_61 = tpu.vector_load %arg13[%swap3A_59, %swap3A_60] {strides = array<i32>} : memref<128x128xf32, #tpu.memory_space<vmem>>, vector<1x16xf32>,
      %swap3A_62 = vector.shape_cast %swap3A_61 : vector<1x16xf32> to vector<16xf32>
      %swap3A_63 = vector.shape_cast %broadcast_in_dim3A_1 : vector<16xf32> to vector<1x16xf32>
      tpu.vector_store %arg13[%swap3A_59, %swap3A_60], %swap3A_63 {strides = array<i32>} : memref<128x128xf32, #tpu.memory_space<vmem>>, vector<1x16xf32>,
      %swap3A_64 = arith.index_cast %scan3A_39 : i32 to index
      %swap3A_65 = arith.constant 80 : index
      %swap3A_66 = tpu.vector_load %arg13[%swap3A_64, %swap3A_65] {strides = array<i32>} : memref<128x128xf32, #tpu.memory_space<vmem>>, vector<1x16xf32>,
      %swap3A_67 = vector.shape_cast %swap3A_66 : vector<1x16xf32> to vector<16xf32>
      %swap3A_68 = vector.shape_cast %broadcast_in_dim3A_1 : vector<16xf32> to vector<1x16xf32>
      tpu.vector_store %arg13[%swap3A_64, %swap3A_65], %swap3A_68 {strides = array<i32>} : memref<128x128xf32, #tpu.memory_space<vmem>>, vector<1x16xf32>,
      %swap3A_69 = arith.index_cast %scan3A_39 : i32 to index
      %swap3A_70 = arith.constant 96 : index
      %swap3A_71 = tpu.vector_load %arg13[%swap3A_69, %swap3A_70] {strides = array<i32>} : memref<128x128xf32, #tpu.memory_space<vmem>>, vector<1x16xf32>,
      %swap3A_72 = vector.shape_cast %swap3A_71 : vector<1x16xf32> to vector<16xf32>
      %swap3A_73 = vector.shape_cast %broadcast_in_dim3A_1 : vector<16xf32> to vector<1x16xf32>
      tpu.vector_store %arg13[%swap3A_69, %swap3A_70], %swap3A_73 {strides = array<i32>} : memref<128x128xf32, #tpu.memory_space<vmem>>, vector<1x16xf32>,
      %swap3A_74 = arith.index_cast %scan3A_39 : i32 to index
      %swap3A_75 = arith.constant 112 : index
      %swap3A_76 = tpu.vector_load %arg13[%swap3A_74, %swap3A_75] {strides = array<i32>} : memref<128x128xf32, #tpu.memory_space<vmem>>, vector<1x16xf32>,
      %swap3A_77 = vector.shape_cast %swap3A_76 : vector<1x16xf32> to vector<16xf32>
      %swap3A_78 = vector.shape_cast %broadcast_in_dim3A_1 : vector<16xf32> to vector<1x16xf32>
      tpu.vector_store %arg13[%swap3A_74, %swap3A_75], %swap3A_78 {strides = array<i32>} : memref<128x128xf32, #tpu.memory_space<vmem>>, vector<1x16xf32>,
    }
    %scan3A_6 = arith.constant 128 : i32
    %mul3A_7 = arith.constant 632 : i32
    %mul3A_8 = arith.muli %arg1, %mul3A_7 : i32
    %add3A_9 = arith.constant 0 : i32
    %add3A_10 = arith.addi %mul3A_8, %add3A_9 : i32
    "tpu.region"() ({
      %run_scoped3A = tpu.sem_alloc : memref<!tpu.dma_semaphore, #tpu.memory_space<semaphore_mem>>
      %dma_start3A = arith.constant 0 : i32
      %dma_start3A_39 = tpu.memref_slice %arg14[%add3A_10, %dma_start3A] : memref<10112x128xf32, #tpu.memory_space<vmem_shared>> -> memref<128x128xf32, #tpu.memory_space<vmem_shared>>
      %dma_start3A_40 = arith.constant 0 : i32
      %dma_start3A_41 = tpu.memref_slice %arg14[%add3A_10, %dma_start3A_40] : memref<10112x128xf32, #tpu.memory_space<vmem_shared>> -> memref<128x128xf32, #tpu.memory_space<vmem_shared>>
      tpu.enqueue_dma source(%arg13 : memref<128x128xf32, #tpu.memory_space<vmem>>) target(%dma_start3A_41 : memref<128x128xf32, #tpu.memory_space<vmem_shared>>) target_semaphore(%run_scoped3A : memref<!tpu.dma_semaphore, #tpu.memory_space<semaphore_mem>>)
      %dma_wait3A = arith.constant 0 : i32
      %dma_wait3A_42 = tpu.memref_slice %arg14[%add3A_10, %dma_wait3A] : memref<10112x128xf32, #tpu.memory_space<vmem_shared>> -> memref<128x128xf32, #tpu.memory_space<vmem_shared>>
      %dma_wait3A_43 = arith.constant 0 : i32
      %dma_wait3A_44 = tpu.memref_slice %arg14[%add3A_10, %dma_wait3A_43] : memref<10112x128xf32, #tpu.memory_space<vmem_shared>> -> memref<128x128xf32, #tpu.memory_space<vmem_shared>>
      tpu.wait_dma2 semaphore(%run_scoped3A : memref<!tpu.dma_semaphore, #tpu.memory_space<semaphore_mem>>) src(%arg13 : memref<128x128xf32, #tpu.memory_space<vmem>>) dst(%dma_wait3A_44 : memref<128x128xf32, #tpu.memory_space<vmem_shared>>)
      tpu.yield
    }) : () -> ()
    %mul3A_11 = arith.constant 632 : i32
    %mul3A_12 = arith.muli %arg1, %mul3A_11 : i32
    %add3A_13 = arith.constant 128 : i32
    %add3A_14 = arith.addi %mul3A_12, %add3A_13 : i32
    "tpu.region"() ({
      %run_scoped3A = tpu.sem_alloc : memref<!tpu.dma_semaphore, #tpu.memory_space<semaphore_mem>>
      %dma_start3A = arith.constant 0 : i32
      %dma_start3A_39 = tpu.memref_slice %arg14[%add3A_14, %dma_start3A] : memref<10112x128xf32, #tpu.memory_space<vmem_shared>> -> memref<128x128xf32, #tpu.memory_space<vmem_shared>>
      %dma_start3A_40 = arith.constant 0 : i32
      %dma_start3A_41 = tpu.memref_slice %arg14[%add3A_14, %dma_start3A_40] : memref<10112x128xf32, #tpu.memory_space<vmem_shared>> -> memref<128x128xf32, #tpu.memory_space<vmem_shared>>
      tpu.enqueue_dma source(%arg13 : memref<128x128xf32, #tpu.memory_space<vmem>>) target(%dma_start3A_41 : memref<128x128xf32, #tpu.memory_space<vmem_shared>>) target_semaphore(%run_scoped3A : memref<!tpu.dma_semaphore, #tpu.memory_space<semaphore_mem>>)
      %dma_wait3A = arith.constant 0 : i32
      %dma_wait3A_42 = tpu.memref_slice %arg14[%add3A_14, %dma_wait3A] : memref<10112x128xf32, #tpu.memory_space<vmem_shared>> -> memref<128x128xf32, #tpu.memory_space<vmem_shared>>
      %dma_wait3A_43 = arith.constant 0 : i32
      %dma_wait3A_44 = tpu.memref_slice %arg14[%add3A_14, %dma_wait3A_43] : memref<10112x128xf32, #tpu.memory_space<vmem_shared>> -> memref<128x128xf32, #tpu.memory_space<vmem_shared>>
      tpu.wait_dma2 semaphore(%run_scoped3A : memref<!tpu.dma_semaphore, #tpu.memory_space<semaphore_mem>>) src(%arg13 : memref<128x128xf32, #tpu.memory_space<vmem>>) dst(%dma_wait3A_44 : memref<128x128xf32, #tpu.memory_space<vmem_shared>>)
      tpu.yield
    }) : () -> ()
    %mul3A_15 = arith.constant 632 : i32
    %mul3A_16 = arith.muli %arg1, %mul3A_15 : i32
    %add3A_17 = arith.constant 256 : i32
    %add3A_18 = arith.addi %mul3A_16, %add3A_17 : i32
    "tpu.region"() ({
      %run_scoped3A = tpu.sem_alloc : memref<!tpu.dma_semaphore, #tpu.memory_space<semaphore_mem>>
      %dma_start3A = arith.constant 0 : i32
      %dma_start3A_39 = tpu.memref_slice %arg14[%add3A_18, %dma_start3A] : memref<10112x128xf32, #tpu.memory_space<vmem_shared>> -> memref<128x128xf32, #tpu.memory_space<vmem_shared>>
      %dma_start3A_40 = arith.constant 0 : i32
      %dma_start3A_41 = tpu.memref_slice %arg14[%add3A_18, %dma_start3A_40] : memref<10112x128xf32, #tpu.memory_space<vmem_shared>> -> memref<128x128xf32, #tpu.memory_space<vmem_shared>>
      tpu.enqueue_dma source(%arg13 : memref<128x128xf32, #tpu.memory_space<vmem>>) target(%dma_start3A_41 : memref<128x128xf32, #tpu.memory_space<vmem_shared>>) target_semaphore(%run_scoped3A : memref<!tpu.dma_semaphore, #tpu.memory_space<semaphore_mem>>)
      %dma_wait3A = arith.constant 0 : i32
      %dma_wait3A_42 = tpu.memref_slice %arg14[%add3A_18, %dma_wait3A] : memref<10112x128xf32, #tpu.memory_space<vmem_shared>> -> memref<128x128xf32, #tpu.memory_space<vmem_shared>>
      %dma_wait3A_43 = arith.constant 0 : i32
      %dma_wait3A_44 = tpu.memref_slice %arg14[%add3A_18, %dma_wait3A_43] : memref<10112x128xf32, #tpu.memory_space<vmem_shared>> -> memref<128x128xf32, #tpu.memory_space<vmem_shared>>
      tpu.wait_dma2 semaphore(%run_scoped3A : memref<!tpu.dma_semaphore, #tpu.memory_space<semaphore_mem>>) src(%arg13 : memref<128x128xf32, #tpu.memory_space<vmem>>) dst(%dma_wait3A_44 : memref<128x128xf32, #tpu.memory_space<vmem_shared>>)
      tpu.yield
    }) : () -> ()
    %mul3A_19 = arith.constant 632 : i32
    %mul3A_20 = arith.muli %arg1, %mul3A_19 : i32
    %add3A_21 = arith.constant 384 : i32
    %add3A_22 = arith.addi %mul3A_20, %add3A_21 : i32
    "tpu.region"() ({
      %run_scoped3A = tpu.sem_alloc : memref<!tpu.dma_semaphore, #tpu.memory_space<semaphore_mem>>
      %dma_start3A = arith.constant 0 : i32
      %dma_start3A_39 = tpu.memref_slice %arg14[%add3A_22, %dma_start3A] : memref<10112x128xf32, #tpu.memory_space<vmem_shared>> -> memref<128x128xf32, #tpu.memory_space<vmem_shared>>
      %dma_start3A_40 = arith.constant 0 : i32
      %dma_start3A_41 = tpu.memref_slice %arg14[%add3A_22, %dma_start3A_40] : memref<10112x128xf32, #tpu.memory_space<vmem_shared>> -> memref<128x128xf32, #tpu.memory_space<vmem_shared>>
      tpu.enqueue_dma source(%arg13 : memref<128x128xf32, #tpu.memory_space<vmem>>) target(%dma_start3A_41 : memref<128x128xf32, #tpu.memory_space<vmem_shared>>) target_semaphore(%run_scoped3A : memref<!tpu.dma_semaphore, #tpu.memory_space<semaphore_mem>>)
      %dma_wait3A = arith.constant 0 : i32
      %dma_wait3A_42 = tpu.memref_slice %arg14[%add3A_22, %dma_wait3A] : memref<10112x128xf32, #tpu.memory_space<vmem_shared>> -> memref<128x128xf32, #tpu.memory_space<vmem_shared>>
      %dma_wait3A_43 = arith.constant 0 : i32
      %dma_wait3A_44 = tpu.memref_slice %arg14[%add3A_22, %dma_wait3A_43] : memref<10112x128xf32, #tpu.memory_space<vmem_shared>> -> memref<128x128xf32, #tpu.memory_space<vmem_shared>>
      tpu.wait_dma2 semaphore(%run_scoped3A : memref<!tpu.dma_semaphore, #tpu.memory_space<semaphore_mem>>) src(%arg13 : memref<128x128xf32, #tpu.memory_space<vmem>>) dst(%dma_wait3A_44 : memref<128x128xf32, #tpu.memory_space<vmem_shared>>)
      tpu.yield
    }) : () -> ()
    %barrier3A = arith.constant 0 : index
    tpu.barrier barrier_id(%barrier3A)
    %mul3A_23 = arith.constant 10000 : i32
    %mul3A_24 = arith.muli %add3A, %mul3A_23 : i32
    %scan3A_25 = arith.constant 0 : i32
    %scan3A_26 = arith.constant 0 : i32
    %scan3A_27 = arith.constant 125 : i32
    %scan3A_28 = arith.addi %scan3A_26, %scan3A_27 : i32
    %scan3A_29 = arith.constant 1 : i32
    scf.for %scan3A_39 = %scan3A_26 to %scan3A_28 step %scan3A_29  : i32 {
      %mul3A_40 = arith.constant 80 : i32
      %mul3A_41 = arith.muli %scan3A_39, %mul3A_40 : i32
      %add3A_42 = arith.addi %mul3A_24, %mul3A_41 : i32
      "tpu.region"() ({
        %run_scoped3A = tpu.sem_alloc : memref<!tpu.dma_semaphore, #tpu.memory_space<semaphore_mem>>
        %dma_start3A_67 = tpu.memref_slice %arg5[%add3A_42] : memref<320000xi32, #tpu.memory_space<hbm>> -> memref<80xi32, #tpu.memory_space<hbm>>
        %dma_start3A_68 = tpu.memref_slice %arg5[%add3A_42] : memref<320000xi32, #tpu.memory_space<hbm>> -> memref<80xi32, #tpu.memory_space<hbm>>
        tpu.enqueue_dma source(%dma_start3A_68 : memref<80xi32, #tpu.memory_space<hbm>>) target(%arg8 : memref<80xi32, #tpu.memory_space<vmem>>) target_semaphore(%run_scoped3A : memref<!tpu.dma_semaphore, #tpu.memory_space<semaphore_mem>>)
        %dma_wait3A_69 = tpu.memref_slice %arg5[%add3A_42] : memref<320000xi32, #tpu.memory_space<hbm>> -> memref<80xi32, #tpu.memory_space<hbm>>
        %dma_wait3A_70 = tpu.memref_slice %arg5[%add3A_42] : memref<320000xi32, #tpu.memory_space<hbm>> -> memref<80xi32, #tpu.memory_space<hbm>>
        tpu.wait_dma2 semaphore(%run_scoped3A : memref<!tpu.dma_semaphore, #tpu.memory_space<semaphore_mem>>) src(%dma_wait3A_70 : memref<80xi32, #tpu.memory_space<hbm>>) dst(%arg8 : memref<80xi32, #tpu.memory_space<vmem>>)
        tpu.yield
      }) : () -> ()
      "tpu.region"() ({
        %run_scoped3A = tpu.sem_alloc : memref<!tpu.dma_semaphore, #tpu.memory_space<semaphore_mem>>
        %dma_start3A_67 = tpu.memref_slice %arg6[%add3A_42] : memref<320000xi32, #tpu.memory_space<hbm>> -> memref<80xi32, #tpu.memory_space<hbm>>
        %dma_start3A_68 = tpu.memref_slice %arg6[%add3A_42] : memref<320000xi32, #tpu.memory_space<hbm>> -> memref<80xi32, #tpu.memory_space<hbm>>
        tpu.enqueue_dma source(%dma_start3A_68 : memref<80xi32, #tpu.memory_space<hbm>>) target(%arg9 : memref<80xi32, #tpu.memory_space<vmem>>) target_semaphore(%run_scoped3A : memref<!tpu.dma_semaphore, #tpu.memory_space<semaphore_mem>>)
        %dma_wait3A_69 = tpu.memref_slice %arg6[%add3A_42] : memref<320000xi32, #tpu.memory_space<hbm>> -> memref<80xi32, #tpu.memory_space<hbm>>
        %dma_wait3A_70 = tpu.memref_slice %arg6[%add3A_42] : memref<320000xi32, #tpu.memory_space<hbm>> -> memref<80xi32, #tpu.memory_space<hbm>>
        tpu.wait_dma2 semaphore(%run_scoped3A : memref<!tpu.dma_semaphore, #tpu.memory_space<semaphore_mem>>) src(%dma_wait3A_70 : memref<80xi32, #tpu.memory_space<hbm>>) dst(%arg9 : memref<80xi32, #tpu.memory_space<vmem>>)
        tpu.yield
      }) : () -> ()
      %dma_start3A = arith.constant 0 : i32
      %dma_start3A_43 = arith.constant 0 : i32
      %dma_start3A_44 = tpu.memref_slice %arg2[%dma_start3A, %dma_start3A_43] : memref<10000x128xf32, #tpu.memory_space<hbm>> -> memref<10000x128xf32, #tpu.memory_space<hbm>>
      tpu.enqueue_indirect_dma source(%dma_start3A_44 : memref<10000x128xf32, #tpu.memory_space<hbm>>) target(%arg10 : memref<80x128xf32, #tpu.memory_space<vmem>>) offsets(%arg8 : memref<80xi32, #tpu.memory_space<vmem>>) semaphore(%arg15 : memref<!tpu.dma_semaphore, #tpu.memory_space<semaphore_mem>>)
      %dma_start3A_45 = arith.constant 0 : i32
      %dma_start3A_46 = arith.constant 0 : i32
      %dma_start3A_47 = tpu.memref_slice %arg3[%dma_start3A_45, %dma_start3A_46] : memref<10000x128xf32, #tpu.memory_space<hbm>> -> memref<10000x128xf32, #tpu.memory_space<hbm>>
      tpu.enqueue_indirect_dma source(%dma_start3A_47 : memref<10000x128xf32, #tpu.memory_space<hbm>>) target(%arg11 : memref<80x128xf32, #tpu.memory_space<vmem>>) offsets(%arg9 : memref<80xi32, #tpu.memory_space<vmem>>) semaphore(%arg16 : memref<!tpu.dma_semaphore, #tpu.memory_space<semaphore_mem>>)
      %dma_start3A_48 = arith.constant 0 : i32
      %dma_start3A_49 = tpu.memref_slice %arg4[%add3A_42, %dma_start3A_48] : memref<320000x128xf32, #tpu.memory_space<hbm>> -> memref<80x128xf32, #tpu.memory_space<hbm>>
      %dma_start3A_50 = arith.constant 0 : i32
      %dma_start3A_51 = tpu.memref_slice %arg4[%add3A_42, %dma_start3A_50] : memref<320000x128xf32, #tpu.memory_space<hbm>> -> memref<80x128xf32, #tpu.memory_space<hbm>>
      tpu.enqueue_dma source(%dma_start3A_51 : memref<80x128xf32, #tpu.memory_space<hbm>>) target(%arg12 : memref<80x128xf32, #tpu.memory_space<vmem>>) target_semaphore(%arg17 : memref<!tpu.dma_semaphore, #tpu.memory_space<semaphore_mem>>)
      %dma_wait3A = arith.constant 0 : i32
      %dma_wait3A_52 = arith.constant 0 : i32
      %dma_wait3A_53 = tpu.memref_slice %arg2[%dma_wait3A, %dma_wait3A_52] : memref<10000x128xf32, #tpu.memory_space<hbm>> -> memref<10000x128xf32, #tpu.memory_space<hbm>>
      tpu.wait_indirect_dma semaphore(%arg15 : memref<!tpu.dma_semaphore, #tpu.memory_space<semaphore_mem>>) src(%dma_wait3A_53 : memref<10000x128xf32, #tpu.memory_space<hbm>>) dst(%arg10 : memref<80x128xf32, #tpu.memory_space<vmem>>)
      %dma_wait3A_54 = arith.constant 0 : i32
      %dma_wait3A_55 = arith.constant 0 : i32
      %dma_wait3A_56 = tpu.memref_slice %arg3[%dma_wait3A_54, %dma_wait3A_55] : memref<10000x128xf32, #tpu.memory_space<hbm>> -> memref<10000x128xf32, #tpu.memory_space<hbm>>
      tpu.wait_indirect_dma semaphore(%arg16 : memref<!tpu.dma_semaphore, #tpu.memory_space<semaphore_mem>>) src(%dma_wait3A_56 : memref<10000x128xf32, #tpu.memory_space<hbm>>) dst(%arg11 : memref<80x128xf32, #tpu.memory_space<vmem>>)
      %dma_wait3A_57 = arith.constant 0 : i32
      %dma_wait3A_58 = tpu.memref_slice %arg4[%add3A_42, %dma_wait3A_57] : memref<320000x128xf32, #tpu.memory_space<hbm>> -> memref<80x128xf32, #tpu.memory_space<hbm>>
      %dma_wait3A_59 = arith.constant 0 : i32
      %dma_wait3A_60 = tpu.memref_slice %arg4[%add3A_42, %dma_wait3A_59] : memref<320000x128xf32, #tpu.memory_space<hbm>> -> memref<80x128xf32, #tpu.memory_space<hbm>>
      tpu.wait_dma2 semaphore(%arg17 : memref<!tpu.dma_semaphore, #tpu.memory_space<semaphore_mem>>) src(%dma_wait3A_60 : memref<80x128xf32, #tpu.memory_space<hbm>>) dst(%arg12 : memref<80x128xf32, #tpu.memory_space<vmem>>)
      %scan3A_61 = arith.constant 0 : i32
      %scan3A_62 = arith.constant 0 : i32
      %scan3A_63 = arith.constant 80 : i32
      %scan3A_64 = arith.addi %scan3A_62, %scan3A_63 : i32
      %scan3A_65 = arith.constant 1 : i32
      scf.for %scan3A_67 = %scan3A_62 to %scan3A_64 step %scan3A_65  : i32 {
        %get3A = arith.index_cast %scan3A_67 : i32 to index
        %get3A_68 = arith.constant 0 : index
        %get3A_69 = tpu.vector_load %arg12[%get3A, %get3A_68] {strides = array<i32>} : memref<80x128xf32, #tpu.memory_space<vmem>>, vector<1x16xf32>,
        %get3A_70 = vector.shape_cast %get3A_69 : vector<1x16xf32> to vector<16xf32>
        %get3A_71 = arith.index_cast %scan3A_67 : i32 to index
        %get3A_72 = arith.constant 0 : index
        %get3A_73 = tpu.vector_load %arg10[%get3A_71, %get3A_72] {strides = array<i32>} : memref<80x128xf32, #tpu.memory_space<vmem>>, vector<1x16xf32>,
        %get3A_74 = vector.shape_cast %get3A_73 : vector<1x16xf32> to vector<16xf32>
        %add3A_75 = arith.addf %get3A_70, %get3A_74 : vector<16xf32>
        %get3A_76 = arith.index_cast %scan3A_67 : i32 to index
        %get3A_77 = arith.constant 0 : index
        %get3A_78 = tpu.vector_load %arg11[%get3A_76, %get3A_77] {strides = array<i32>} : memref<80x128xf32, #tpu.memory_space<vmem>>, vector<1x16xf32>,
        %get3A_79 = vector.shape_cast %get3A_78 : vector<1x16xf32> to vector<16xf32>
        %add3A_80 = arith.addf %add3A_75, %get3A_79 : vector<16xf32>
        %max3A = arith.constant 0.000000e+00 : f32
        %max3A_81 = vector.broadcast %max3A : f32 to vector<16xf32>
        %max3A_82 = arith.maximumf %add3A_80, %max3A_81 : vector<16xf32>
        %swap3A = arith.index_cast %scan3A_67 : i32 to index
        %swap3A_83 = arith.constant 0 : index
        %swap3A_84 = tpu.vector_load %arg12[%swap3A, %swap3A_83] {strides = array<i32>} : memref<80x128xf32, #tpu.memory_space<vmem>>, vector<1x16xf32>,
        %swap3A_85 = vector.shape_cast %swap3A_84 : vector<1x16xf32> to vector<16xf32>
        %swap3A_86 = vector.shape_cast %max3A_82 : vector<16xf32> to vector<1x16xf32>
        tpu.vector_store %arg12[%swap3A, %swap3A_83], %swap3A_86 {strides = array<i32>} : memref<80x128xf32, #tpu.memory_space<vmem>>, vector<1x16xf32>,
        %get3A_87 = arith.index_cast %scan3A_67 : i32 to index
        %get3A_88 = arith.constant 16 : index
        %get3A_89 = tpu.vector_load %arg12[%get3A_87, %get3A_88] {strides = array<i32>} : memref<80x128xf32, #tpu.memory_space<vmem>>, vector<1x16xf32>,
        %get3A_90 = vector.shape_cast %get3A_89 : vector<1x16xf32> to vector<16xf32>
        %get3A_91 = arith.index_cast %scan3A_67 : i32 to index
        %get3A_92 = arith.constant 16 : index
        %get3A_93 = tpu.vector_load %arg10[%get3A_91, %get3A_92] {strides = array<i32>} : memref<80x128xf32, #tpu.memory_space<vmem>>, vector<1x16xf32>,
        %get3A_94 = vector.shape_cast %get3A_93 : vector<1x16xf32> to vector<16xf32>
        %add3A_95 = arith.addf %get3A_90, %get3A_94 : vector<16xf32>
        %get3A_96 = arith.index_cast %scan3A_67 : i32 to index
        %get3A_97 = arith.constant 16 : index
        %get3A_98 = tpu.vector_load %arg11[%get3A_96, %get3A_97] {strides = array<i32>} : memref<80x128xf32, #tpu.memory_space<vmem>>, vector<1x16xf32>,
        %get3A_99 = vector.shape_cast %get3A_98 : vector<1x16xf32> to vector<16xf32>
        %add3A_100 = arith.addf %add3A_95, %get3A_99 : vector<16xf32>
        %max3A_101 = arith.constant 0.000000e+00 : f32
        %max3A_102 = vector.broadcast %max3A_101 : f32 to vector<16xf32>
        %max3A_103 = arith.maximumf %add3A_100, %max3A_102 : vector<16xf32>
        %swap3A_104 = arith.index_cast %scan3A_67 : i32 to index
        %swap3A_105 = arith.constant 16 : index
        %swap3A_106 = tpu.vector_load %arg12[%swap3A_104, %swap3A_105] {strides = array<i32>} : memref<80x128xf32, #tpu.memory_space<vmem>>, vector<1x16xf32>,
        %swap3A_107 = vector.shape_cast %swap3A_106 : vector<1x16xf32> to vector<16xf32>
        %swap3A_108 = vector.shape_cast %max3A_103 : vector<16xf32> to vector<1x16xf32>
        tpu.vector_store %arg12[%swap3A_104, %swap3A_105], %swap3A_108 {strides = array<i32>} : memref<80x128xf32, #tpu.memory_space<vmem>>, vector<1x16xf32>,
        %get3A_109 = arith.index_cast %scan3A_67 : i32 to index
        %get3A_110 = arith.constant 32 : index
        %get3A_111 = tpu.vector_load %arg12[%get3A_109, %get3A_110] {strides = array<i32>} : memref<80x128xf32, #tpu.memory_space<vmem>>, vector<1x16xf32>,
        %get3A_112 = vector.shape_cast %get3A_111 : vector<1x16xf32> to vector<16xf32>
        %get3A_113 = arith.index_cast %scan3A_67 : i32 to index
        %get3A_114 = arith.constant 32 : index
        %get3A_115 = tpu.vector_load %arg10[%get3A_113, %get3A_114] {strides = array<i32>} : memref<80x128xf32, #tpu.memory_space<vmem>>, vector<1x16xf32>,
        %get3A_116 = vector.shape_cast %get3A_115 : vector<1x16xf32> to vector<16xf32>
        %add3A_117 = arith.addf %get3A_112, %get3A_116 : vector<16xf32>
        %get3A_118 = arith.index_cast %scan3A_67 : i32 to index
        %get3A_119 = arith.constant 32 : index
        %get3A_120 = tpu.vector_load %arg11[%get3A_118, %get3A_119] {strides = array<i32>} : memref<80x128xf32, #tpu.memory_space<vmem>>, vector<1x16xf32>,
        %get3A_121 = vector.shape_cast %get3A_120 : vector<1x16xf32> to vector<16xf32>
        %add3A_122 = arith.addf %add3A_117, %get3A_121 : vector<16xf32>
        %max3A_123 = arith.constant 0.000000e+00 : f32
        %max3A_124 = vector.broadcast %max3A_123 : f32 to vector<16xf32>
        %max3A_125 = arith.maximumf %add3A_122, %max3A_124 : vector<16xf32>
        %swap3A_126 = arith.index_cast %scan3A_67 : i32 to index
        %swap3A_127 = arith.constant 32 : index
        %swap3A_128 = tpu.vector_load %arg12[%swap3A_126, %swap3A_127] {strides = array<i32>} : memref<80x128xf32, #tpu.memory_space<vmem>>, vector<1x16xf32>,
        %swap3A_129 = vector.shape_cast %swap3A_128 : vector<1x16xf32> to vector<16xf32>
        %swap3A_130 = vector.shape_cast %max3A_125 : vector<16xf32> to vector<1x16xf32>
        tpu.vector_store %arg12[%swap3A_126, %swap3A_127], %swap3A_130 {strides = array<i32>} : memref<80x128xf32, #tpu.memory_space<vmem>>, vector<1x16xf32>,
        %get3A_131 = arith.index_cast %scan3A_67 : i32 to index
        %get3A_132 = arith.constant 48 : index
        %get3A_133 = tpu.vector_load %arg12[%get3A_131, %get3A_132] {strides = array<i32>} : memref<80x128xf32, #tpu.memory_space<vmem>>, vector<1x16xf32>,
        %get3A_134 = vector.shape_cast %get3A_133 : vector<1x16xf32> to vector<16xf32>
        %get3A_135 = arith.index_cast %scan3A_67 : i32 to index
        %get3A_136 = arith.constant 48 : index
        %get3A_137 = tpu.vector_load %arg10[%get3A_135, %get3A_136] {strides = array<i32>} : memref<80x128xf32, #tpu.memory_space<vmem>>, vector<1x16xf32>,
        %get3A_138 = vector.shape_cast %get3A_137 : vector<1x16xf32> to vector<16xf32>
        %add3A_139 = arith.addf %get3A_134, %get3A_138 : vector<16xf32>
        %get3A_140 = arith.index_cast %scan3A_67 : i32 to index
        %get3A_141 = arith.constant 48 : index
        %get3A_142 = tpu.vector_load %arg11[%get3A_140, %get3A_141] {strides = array<i32>} : memref<80x128xf32, #tpu.memory_space<vmem>>, vector<1x16xf32>,
        %get3A_143 = vector.shape_cast %get3A_142 : vector<1x16xf32> to vector<16xf32>
        %add3A_144 = arith.addf %add3A_139, %get3A_143 : vector<16xf32>
        %max3A_145 = arith.constant 0.000000e+00 : f32
        %max3A_146 = vector.broadcast %max3A_145 : f32 to vector<16xf32>
        %max3A_147 = arith.maximumf %add3A_144, %max3A_146 : vector<16xf32>
        %swap3A_148 = arith.index_cast %scan3A_67 : i32 to index
        %swap3A_149 = arith.constant 48 : index
        %swap3A_150 = tpu.vector_load %arg12[%swap3A_148, %swap3A_149] {strides = array<i32>} : memref<80x128xf32, #tpu.memory_space<vmem>>, vector<1x16xf32>,
        %swap3A_151 = vector.shape_cast %swap3A_150 : vector<1x16xf32> to vector<16xf32>
        %swap3A_152 = vector.shape_cast %max3A_147 : vector<16xf32> to vector<1x16xf32>
        tpu.vector_store %arg12[%swap3A_148, %swap3A_149], %swap3A_152 {strides = array<i32>} : memref<80x128xf32, #tpu.memory_space<vmem>>, vector<1x16xf32>,
        %get3A_153 = arith.index_cast %scan3A_67 : i32 to index
        %get3A_154 = arith.constant 64 : index
        %get3A_155 = tpu.vector_load %arg12[%get3A_153, %get3A_154] {strides = array<i32>} : memref<80x128xf32, #tpu.memory_space<vmem>>, vector<1x16xf32>,
        %get3A_156 = vector.shape_cast %get3A_155 : vector<1x16xf32> to vector<16xf32>
        %get3A_157 = arith.index_cast %scan3A_67 : i32 to index
        %get3A_158 = arith.constant 64 : index
        %get3A_159 = tpu.vector_load %arg10[%get3A_157, %get3A_158] {strides = array<i32>} : memref<80x128xf32, #tpu.memory_space<vmem>>, vector<1x16xf32>,
        %get3A_160 = vector.shape_cast %get3A_159 : vector<1x16xf32> to vector<16xf32>
        %add3A_161 = arith.addf %get3A_156, %get3A_160 : vector<16xf32>
        %get3A_162 = arith.index_cast %scan3A_67 : i32 to index
        %get3A_163 = arith.constant 64 : index
        %get3A_164 = tpu.vector_load %arg11[%get3A_162, %get3A_163] {strides = array<i32>} : memref<80x128xf32, #tpu.memory_space<vmem>>, vector<1x16xf32>,
        %get3A_165 = vector.shape_cast %get3A_164 : vector<1x16xf32> to vector<16xf32>
        %add3A_166 = arith.addf %add3A_161, %get3A_165 : vector<16xf32>
        %max3A_167 = arith.constant 0.000000e+00 : f32
        %max3A_168 = vector.broadcast %max3A_167 : f32 to vector<16xf32>
        %max3A_169 = arith.maximumf %add3A_166, %max3A_168 : vector<16xf32>
        %swap3A_170 = arith.index_cast %scan3A_67 : i32 to index
        %swap3A_171 = arith.constant 64 : index
        %swap3A_172 = tpu.vector_load %arg12[%swap3A_170, %swap3A_171] {strides = array<i32>} : memref<80x128xf32, #tpu.memory_space<vmem>>, vector<1x16xf32>,
        %swap3A_173 = vector.shape_cast %swap3A_172 : vector<1x16xf32> to vector<16xf32>
        %swap3A_174 = vector.shape_cast %max3A_169 : vector<16xf32> to vector<1x16xf32>
        tpu.vector_store %arg12[%swap3A_170, %swap3A_171], %swap3A_174 {strides = array<i32>} : memref<80x128xf32, #tpu.memory_space<vmem>>, vector<1x16xf32>,
        %get3A_175 = arith.index_cast %scan3A_67 : i32 to index
        %get3A_176 = arith.constant 80 : index
        %get3A_177 = tpu.vector_load %arg12[%get3A_175, %get3A_176] {strides = array<i32>} : memref<80x128xf32, #tpu.memory_space<vmem>>, vector<1x16xf32>,
        %get3A_178 = vector.shape_cast %get3A_177 : vector<1x16xf32> to vector<16xf32>
        %get3A_179 = arith.index_cast %scan3A_67 : i32 to index
        %get3A_180 = arith.constant 80 : index
        %get3A_181 = tpu.vector_load %arg10[%get3A_179, %get3A_180] {strides = array<i32>} : memref<80x128xf32, #tpu.memory_space<vmem>>, vector<1x16xf32>,
        %get3A_182 = vector.shape_cast %get3A_181 : vector<1x16xf32> to vector<16xf32>
        %add3A_183 = arith.addf %get3A_178, %get3A_182 : vector<16xf32>
        %get3A_184 = arith.index_cast %scan3A_67 : i32 to index
        %get3A_185 = arith.constant 80 : index
        %get3A_186 = tpu.vector_load %arg11[%get3A_184, %get3A_185] {strides = array<i32>} : memref<80x128xf32, #tpu.memory_space<vmem>>, vector<1x16xf32>,
        %get3A_187 = vector.shape_cast %get3A_186 : vector<1x16xf32> to vector<16xf32>
        %add3A_188 = arith.addf %add3A_183, %get3A_187 : vector<16xf32>
        %max3A_189 = arith.constant 0.000000e+00 : f32
        %max3A_190 = vector.broadcast %max3A_189 : f32 to vector<16xf32>
        %max3A_191 = arith.maximumf %add3A_188, %max3A_190 : vector<16xf32>
        %swap3A_192 = arith.index_cast %scan3A_67 : i32 to index
        %swap3A_193 = arith.constant 80 : index
        %swap3A_194 = tpu.vector_load %arg12[%swap3A_192, %swap3A_193] {strides = array<i32>} : memref<80x128xf32, #tpu.memory_space<vmem>>, vector<1x16xf32>,
        %swap3A_195 = vector.shape_cast %swap3A_194 : vector<1x16xf32> to vector<16xf32>
        %swap3A_196 = vector.shape_cast %max3A_191 : vector<16xf32> to vector<1x16xf32>
        tpu.vector_store %arg12[%swap3A_192, %swap3A_193], %swap3A_196 {strides = array<i32>} : memref<80x128xf32, #tpu.memory_space<vmem>>, vector<1x16xf32>,
        %get3A_197 = arith.index_cast %scan3A_67 : i32 to index
        %get3A_198 = arith.constant 96 : index
        %get3A_199 = tpu.vector_load %arg12[%get3A_197, %get3A_198] {strides = array<i32>} : memref<80x128xf32, #tpu.memory_space<vmem>>, vector<1x16xf32>,
        %get3A_200 = vector.shape_cast %get3A_199 : vector<1x16xf32> to vector<16xf32>
        %get3A_201 = arith.index_cast %scan3A_67 : i32 to index
        %get3A_202 = arith.constant 96 : index
        %get3A_203 = tpu.vector_load %arg10[%get3A_201, %get3A_202] {strides = array<i32>} : memref<80x128xf32, #tpu.memory_space<vmem>>, vector<1x16xf32>,
        %get3A_204 = vector.shape_cast %get3A_203 : vector<1x16xf32> to vector<16xf32>
        %add3A_205 = arith.addf %get3A_200, %get3A_204 : vector<16xf32>
        %get3A_206 = arith.index_cast %scan3A_67 : i32 to index
        %get3A_207 = arith.constant 96 : index
        %get3A_208 = tpu.vector_load %arg11[%get3A_206, %get3A_207] {strides = array<i32>} : memref<80x128xf32, #tpu.memory_space<vmem>>, vector<1x16xf32>,
        %get3A_209 = vector.shape_cast %get3A_208 : vector<1x16xf32> to vector<16xf32>
        %add3A_210 = arith.addf %add3A_205, %get3A_209 : vector<16xf32>
        %max3A_211 = arith.constant 0.000000e+00 : f32
        %max3A_212 = vector.broadcast %max3A_211 : f32 to vector<16xf32>
        %max3A_213 = arith.maximumf %add3A_210, %max3A_212 : vector<16xf32>
        %swap3A_214 = arith.index_cast %scan3A_67 : i32 to index
        %swap3A_215 = arith.constant 96 : index
        %swap3A_216 = tpu.vector_load %arg12[%swap3A_214, %swap3A_215] {strides = array<i32>} : memref<80x128xf32, #tpu.memory_space<vmem>>, vector<1x16xf32>,
        %swap3A_217 = vector.shape_cast %swap3A_216 : vector<1x16xf32> to vector<16xf32>
        %swap3A_218 = vector.shape_cast %max3A_213 : vector<16xf32> to vector<1x16xf32>
        tpu.vector_store %arg12[%swap3A_214, %swap3A_215], %swap3A_218 {strides = array<i32>} : memref<80x128xf32, #tpu.memory_space<vmem>>, vector<1x16xf32>,
        %get3A_219 = arith.index_cast %scan3A_67 : i32 to index
        %get3A_220 = arith.constant 112 : index
        %get3A_221 = tpu.vector_load %arg12[%get3A_219, %get3A_220] {strides = array<i32>} : memref<80x128xf32, #tpu.memory_space<vmem>>, vector<1x16xf32>,
        %get3A_222 = vector.shape_cast %get3A_221 : vector<1x16xf32> to vector<16xf32>
        %get3A_223 = arith.index_cast %scan3A_67 : i32 to index
        %get3A_224 = arith.constant 112 : index
        %get3A_225 = tpu.vector_load %arg10[%get3A_223, %get3A_224] {strides = array<i32>} : memref<80x128xf32, #tpu.memory_space<vmem>>, vector<1x16xf32>,
        %get3A_226 = vector.shape_cast %get3A_225 : vector<1x16xf32> to vector<16xf32>
        %add3A_227 = arith.addf %get3A_222, %get3A_226 : vector<16xf32>
        %get3A_228 = arith.index_cast %scan3A_67 : i32 to index
        %get3A_229 = arith.constant 112 : index
        %get3A_230 = tpu.vector_load %arg11[%get3A_228, %get3A_229] {strides = array<i32>} : memref<80x128xf32, #tpu.memory_space<vmem>>, vector<1x16xf32>,
        %get3A_231 = vector.shape_cast %get3A_230 : vector<1x16xf32> to vector<16xf32>
        %add3A_232 = arith.addf %add3A_227, %get3A_231 : vector<16xf32>
        %max3A_233 = arith.constant 0.000000e+00 : f32
        %max3A_234 = vector.broadcast %max3A_233 : f32 to vector<16xf32>
        %max3A_235 = arith.maximumf %add3A_232, %max3A_234 : vector<16xf32>
        %swap3A_236 = arith.index_cast %scan3A_67 : i32 to index
        %swap3A_237 = arith.constant 112 : index
        %swap3A_238 = tpu.vector_load %arg12[%swap3A_236, %swap3A_237] {strides = array<i32>} : memref<80x128xf32, #tpu.memory_space<vmem>>, vector<1x16xf32>,
        %swap3A_239 = vector.shape_cast %swap3A_238 : vector<1x16xf32> to vector<16xf32>
        %swap3A_240 = vector.shape_cast %max3A_235 : vector<16xf32> to vector<1x16xf32>
        tpu.vector_store %arg12[%swap3A_236, %swap3A_237], %swap3A_240 {strides = array<i32>} : memref<80x128xf32, #tpu.memory_space<vmem>>, vector<1x16xf32>,
      }
      %scan3A_66 = arith.constant 80 : i32
      "tpu.region"() ({
        %run_scoped3A = tpu.sem_alloc : memref<!tpu.dma_semaphore, #tpu.memory_space<semaphore_mem>>
        %dma_start3A_67 = arith.constant 0 : i32
        %dma_start3A_68 = arith.constant 0 : i32
        %dma_start3A_69 = tpu.memref_slice %arg14[%dma_start3A_67, %dma_start3A_68] : memref<10112x128xf32, #tpu.memory_space<vmem_shared>> -> memref<10112x128xf32, #tpu.memory_space<vmem_shared>>
        tpu.enqueue_indirect_dma source(%arg12 : memref<80x128xf32, #tpu.memory_space<vmem>>) target(%dma_start3A_69 : memref<10112x128xf32, #tpu.memory_space<vmem_shared>>) offsets(%arg9 : memref<80xi32, #tpu.memory_space<vmem>>) semaphore(%run_scoped3A : memref<!tpu.dma_semaphore, #tpu.memory_space<semaphore_mem>>) {add = true}
        %dma_wait3A_70 = arith.constant 0 : i32
        %dma_wait3A_71 = arith.constant 0 : i32
        %dma_wait3A_72 = tpu.memref_slice %arg14[%dma_wait3A_70, %dma_wait3A_71] : memref<10112x128xf32, #tpu.memory_space<vmem_shared>> -> memref<10112x128xf32, #tpu.memory_space<vmem_shared>>
        tpu.wait_indirect_dma semaphore(%run_scoped3A : memref<!tpu.dma_semaphore, #tpu.memory_space<semaphore_mem>>) src(%arg12 : memref<80x128xf32, #tpu.memory_space<vmem>>) dst(%dma_wait3A_72 : memref<10112x128xf32, #tpu.memory_space<vmem_shared>>)
        tpu.yield
      }) : () -> ()
    }
    %scan3A_30 = arith.constant 125 : i32
    %barrier3A_31 = arith.constant 0 : index
    tpu.barrier barrier_id(%barrier3A_31)
    %mul3A_32 = arith.constant 10112 : i32
    %mul3A_33 = arith.muli %arg0, %mul3A_32 : i32
    %mul3A_34 = arith.constant 632 : i32
    %mul3A_35 = arith.muli %arg1, %mul3A_34 : i32
    %add3A_36 = arith.addi %mul3A_33, %mul3A_35 : i32
    %mul3A_37 = arith.constant 632 : i32
    %mul3A_38 = arith.muli %arg1, %mul3A_37 : i32
    "tpu.region"() ({
      %run_scoped3A = tpu.sem_alloc : memref<!tpu.dma_semaphore, #tpu.memory_space<semaphore_mem>>
      %dma_start3A = arith.constant 0 : i32
      %dma_start3A_39 = tpu.memref_slice %arg7[%add3A_36, %dma_start3A] : memref<20224x128xf32, #tpu.memory_space<hbm>> -> memref<632x128xf32, #tpu.memory_space<hbm>>
      %dma_start3A_40 = arith.constant 0 : i32
      %dma_start3A_41 = tpu.memref_slice %arg14[%mul3A_38, %dma_start3A_40] : memref<10112x128xf32, #tpu.memory_space<vmem_shared>> -> memref<632x128xf32, #tpu.memory_space<vmem_shared>>
      tpu.enqueue_dma source(%dma_start3A_41 : memref<632x128xf32, #tpu.memory_space<vmem_shared>>) target(%dma_start3A_39 : memref<632x128xf32, #tpu.memory_space<hbm>>) target_semaphore(%run_scoped3A : memref<!tpu.dma_semaphore, #tpu.memory_space<semaphore_mem>>)
      %dma_wait3A = arith.constant 0 : i32
      %dma_wait3A_42 = tpu.memref_slice %arg7[%add3A_36, %dma_wait3A] : memref<20224x128xf32, #tpu.memory_space<hbm>> -> memref<632x128xf32, #tpu.memory_space<hbm>>
      %dma_wait3A_43 = arith.constant 0 : i32
      %dma_wait3A_44 = tpu.memref_slice %arg14[%mul3A_38, %dma_wait3A_43] : memref<10112x128xf32, #tpu.memory_space<vmem_shared>> -> memref<632x128xf32, #tpu.memory_space<vmem_shared>>
      tpu.wait_dma2 semaphore(%run_scoped3A : memref<!tpu.dma_semaphore, #tpu.memory_space<semaphore_mem>>) src(%dma_wait3A_44 : memref<632x128xf32, #tpu.memory_space<vmem_shared>>) dst(%dma_wait3A_42 : memref<632x128xf32, #tpu.memory_space<hbm>>)
      tpu.yield
    }) : () -> ()
    return
  }
}

module attributes {stable_mosaic.version = 14 : i64} {
  func.func @_eproj_body(%arg0: i32, %arg1: memref<4000x16xf32, #tpu.memory_space<vmem>>, %arg2: memref<16x128xf32, #tpu.memory_space<vmem>>, %arg3: memref<4000x128xf32, #tpu.memory_space<vmem>>) attributes {dimension_semantics = [#tpu.dimension_semantics<arbitrary>], iteration_bounds = array<i64: 80>, scalar_prefetch = 0 : i64, scratch_operands = 0 : i64, tpu.core_type = #tpu.core_type<tc>, window_params = [{transform_indices = @transform_0, window_bounds = array<i64: 4000, 16>}, {pipeline_mode = #tpu.pipeline_mode<synchronous>, transform_indices = @transform_1, window_bounds = array<i64: 16, 128>}, {transform_indices = @transform_2, window_bounds = array<i64: 4000, 128>}]} {
    %get3A = arith.constant 0 : index
    %get3A_0 = arith.constant 0 : index
    %get3A_1 = vector.load %arg1[%get3A, %get3A_0] : memref<4000x16xf32, #tpu.memory_space<vmem>>, vector<4000x16xf32>
    %get3A_2 = arith.constant 0 : index
    %get3A_3 = arith.constant 0 : index
    %get3A_4 = vector.load %arg2[%get3A_2, %get3A_3] : memref<16x128xf32, #tpu.memory_space<vmem>>, vector<16x128xf32>
    %dot_general3A = arith.constant dense<0.000000e+00> : vector<4000x128xf32>
    %dot_general3A_5 = tpu.matmul %get3A_1, %get3A_4, %dot_general3A {dimension_numbers = #tpu.dot_dimension_numbers<[1], [0], [0], [1], [0, 0, 1, 1], [], []>, transpose_lhs_hint = false} : vector<4000x16xf32>, vector<16x128xf32>, vector<4000x128xf32> -> vector<4000x128xf32>
    %swap3A = arith.constant 0 : index
    %swap3A_6 = arith.constant 0 : index
    %swap3A_7 = vector.load %arg3[%swap3A, %swap3A_6] : memref<4000x128xf32, #tpu.memory_space<vmem>>, vector<4000x128xf32>
    tpu.vector_store %arg3[%swap3A, %swap3A_6], %dot_general3A_5 {strides = array<i32>} : memref<4000x128xf32, #tpu.memory_space<vmem>>, vector<4000x128xf32>,
    return
  }
  func.func @transform_0(%arg0: i32) -> (i32, i32) {
    %c0_i32 = arith.constant 0 : i32
    %c0_i32_0 = arith.constant 0 : i32
    return %arg0, %c0_i32 : i32, i32
  }
  func.func @transform_1(%arg0: i32) -> (i32, i32) {
    %c0_i32 = arith.constant 0 : i32
    %c0_i32_0 = arith.constant 0 : i32
    %c0_i32_1 = arith.constant 0 : i32
    return %c0_i32, %c0_i32_0 : i32, i32
  }
  func.func @transform_2(%arg0: i32) -> (i32, i32) {
    %c0_i32 = arith.constant 0 : i32
    %c0_i32_0 = arith.constant 0 : i32
    return %arg0, %c0_i32 : i32, i32
  }
}

module attributes {stable_mosaic.version = 14 : i64} {
  func.func @_node_proj_body(%arg0: i32, %arg1: memref<2000x128xf32, #tpu.memory_space<vmem>>, %arg2: memref<128x128xf32, #tpu.memory_space<vmem>>, %arg3: memref<128x128xf32, #tpu.memory_space<vmem>>, %arg4: memref<1x128xf32, #tpu.memory_space<vmem>>, %arg5: memref<2000x128xf32, #tpu.memory_space<vmem>>, %arg6: memref<2000x128xf32, #tpu.memory_space<vmem>>) attributes {dimension_semantics = [#tpu.dimension_semantics<arbitrary>], iteration_bounds = array<i64: 5>, scalar_prefetch = 0 : i64, scratch_operands = 0 : i64, tpu.core_type = #tpu.core_type<tc>, window_params = [{transform_indices = @transform_0, window_bounds = array<i64: 2000, 128>}, {pipeline_mode = #tpu.pipeline_mode<synchronous>, transform_indices = @transform_1, window_bounds = array<i64: 128, 128>}, {pipeline_mode = #tpu.pipeline_mode<synchronous>, transform_indices = @transform_2, window_bounds = array<i64: 128, 128>}, {pipeline_mode = #tpu.pipeline_mode<synchronous>, transform_indices = @transform_3, window_bounds = array<i64: 1, 128>}, {transform_indices = @transform_4, window_bounds = array<i64: 2000, 128>}, {transform_indices = @transform_5, window_bounds = array<i64: 2000, 128>}]} {
    %get3A = arith.constant 0 : index
    %get3A_0 = arith.constant 0 : index
    %get3A_1 = vector.load %arg1[%get3A, %get3A_0] : memref<2000x128xf32, #tpu.memory_space<vmem>>, vector<2000x128xf32>
    %get3A_2 = arith.constant 0 : index
    %get3A_3 = arith.constant 0 : index
    %get3A_4 = vector.load %arg2[%get3A_2, %get3A_3] : memref<128x128xf32, #tpu.memory_space<vmem>>, vector<128x128xf32>
    %dot_general3A = arith.constant dense<0.000000e+00> : vector<2000x128xf32>
    %dot_general3A_5 = tpu.matmul %get3A_1, %get3A_4, %dot_general3A {dimension_numbers = #tpu.dot_dimension_numbers<[1], [0], [0], [1], [0, 0, 1, 1], [], []>, transpose_lhs_hint = false} : vector<2000x128xf32>, vector<128x128xf32>, vector<2000x128xf32> -> vector<2000x128xf32>
    %swap3A = arith.constant 0 : index
    %swap3A_6 = arith.constant 0 : index
    %swap3A_7 = vector.load %arg5[%swap3A, %swap3A_6] : memref<2000x128xf32, #tpu.memory_space<vmem>>, vector<2000x128xf32>
    tpu.vector_store %arg5[%swap3A, %swap3A_6], %dot_general3A_5 {strides = array<i32>} : memref<2000x128xf32, #tpu.memory_space<vmem>>, vector<2000x128xf32>,
    %get3A_8 = arith.constant 0 : index
    %get3A_9 = arith.constant 0 : index
    %get3A_10 = vector.load %arg3[%get3A_8, %get3A_9] : memref<128x128xf32, #tpu.memory_space<vmem>>, vector<128x128xf32>
    %dot_general3A_11 = arith.constant dense<0.000000e+00> : vector<2000x128xf32>
    %dot_general3A_12 = tpu.matmul %get3A_1, %get3A_10, %dot_general3A_11 {dimension_numbers = #tpu.dot_dimension_numbers<[1], [0], [0], [1], [0, 0, 1, 1], [], []>, transpose_lhs_hint = false} : vector<2000x128xf32>, vector<128x128xf32>, vector<2000x128xf32> -> vector<2000x128xf32>
    %get3A_13 = arith.constant 0 : index
    %get3A_14 = arith.constant 0 : index
    %get3A_15 = vector.load %arg4[%get3A_13, %get3A_14] : memref<1x128xf32, #tpu.memory_space<vmem>>, vector<1x128xf32>
    %add3A = vector.broadcast %get3A_15 : vector<1x128xf32> to vector<2000x128xf32>
    %add3A_16 = arith.addf %dot_general3A_12, %add3A : vector<2000x128xf32>
    %swap3A_17 = arith.constant 0 : index
    %swap3A_18 = arith.constant 0 : index
    %swap3A_19 = vector.load %arg6[%swap3A_17, %swap3A_18] : memref<2000x128xf32, #tpu.memory_space<vmem>>, vector<2000x128xf32>
    tpu.vector_store %arg6[%swap3A_17, %swap3A_18], %add3A_16 {strides = array<i32>} : memref<2000x128xf32, #tpu.memory_space<vmem>>, vector<2000x128xf32>,
    return
  }
  func.func @transform_0(%arg0: i32) -> (i32, i32) {
    %c0_i32 = arith.constant 0 : i32
    %c0_i32_0 = arith.constant 0 : i32
    return %arg0, %c0_i32 : i32, i32
  }
  func.func @transform_1(%arg0: i32) -> (i32, i32) {
    %c0_i32 = arith.constant 0 : i32
    %c0_i32_0 = arith.constant 0 : i32
    %c0_i32_1 = arith.constant 0 : i32
    return %c0_i32, %c0_i32_0 : i32, i32
  }
  func.func @transform_2(%arg0: i32) -> (i32, i32) {
    %c0_i32 = arith.constant 0 : i32
    %c0_i32_0 = arith.constant 0 : i32
    %c0_i32_1 = arith.constant 0 : i32
    return %c0_i32, %c0_i32_0 : i32, i32
  }
  func.func @transform_3(%arg0: i32) -> (i32, i32) {
    %c0_i32 = arith.constant 0 : i32
    %c0_i32_0 = arith.constant 0 : i32
    %c0_i32_1 = arith.constant 0 : i32
    return %c0_i32, %c0_i32_0 : i32, i32
  }
  func.func @transform_4(%arg0: i32) -> (i32, i32) {
    %c0_i32 = arith.constant 0 : i32
    %c0_i32_0 = arith.constant 0 : i32
    return %arg0, %c0_i32 : i32, i32
  }
  func.func @transform_5(%arg0: i32) -> (i32, i32) {
    %c0_i32 = arith.constant 0 : i32
    %c0_i32_0 = arith.constant 0 : i32
    return %arg0, %c0_i32 : i32, i32
  }
}

module attributes {stable_mosaic.version = 14 : i64} {
  func.func @_node_global_body(%arg0: i32, %arg1: memref<2000x128xf32, #tpu.memory_space<vmem>>, %arg2: memref<2000x128xf32, #tpu.memory_space<vmem>>, %arg3: memref<2000x128xf32, #tpu.memory_space<vmem>>, %arg4: memref<128x128xf32, #tpu.memory_space<vmem>>, %arg5: memref<128x128xf32, #tpu.memory_space<vmem>>, %arg6: memref<1x128xf32, #tpu.memory_space<vmem>>, %arg7: memref<1x128xf32, #tpu.memory_space<vmem>>, %arg8: memref<128x128xf32, #tpu.memory_space<vmem>>, %arg9: memref<128x128xf32, #tpu.memory_space<vmem>>, %arg10: memref<1x128xf32, #tpu.memory_space<vmem>>, %arg11: memref<2000x128xf32, #tpu.memory_space<vmem>>, %arg12: memref<8x128xf32, #tpu.memory_space<vmem>>, %arg13: memref<1x128xf32, #tpu.memory_space<vmem>>) attributes {dimension_semantics = [#tpu.dimension_semantics<arbitrary>], iteration_bounds = array<i64: 5>, scalar_prefetch = 0 : i64, scratch_operands = 1 : i64, tpu.core_type = #tpu.core_type<tc>, window_params = [{transform_indices = @transform_0, window_bounds = array<i64: 2000, 128>}, {transform_indices = @transform_1, window_bounds = array<i64: 2000, 128>}, {transform_indices = @transform_2, window_bounds = array<i64: 2000, 128>}, {pipeline_mode = #tpu.pipeline_mode<synchronous>, transform_indices = @transform_3, window_bounds = array<i64: 128, 128>}, {pipeline_mode = #tpu.pipeline_mode<synchronous>, transform_indices = @transform_4, window_bounds = array<i64: 128, 128>}, {pipeline_mode = #tpu.pipeline_mode<synchronous>, transform_indices = @transform_5, window_bounds = array<i64: 1, 128>}, {pipeline_mode = #tpu.pipeline_mode<synchronous>, transform_indices = @transform_6, window_bounds = array<i64: 1, 128>}, {pipeline_mode = #tpu.pipeline_mode<synchronous>, transform_indices = @transform_7, window_bounds = array<i64: 128, 128>}, {pipeline_mode = #tpu.pipeline_mode<synchronous>, transform_indices = @transform_8, window_bounds = array<i64: 128, 128>}, {pipeline_mode = #tpu.pipeline_mode<synchronous>, transform_indices = @transform_9, window_bounds = array<i64: 1, 128>}, {transform_indices = @transform_10, window_bounds = array<i64: 2000, 128>}, {pipeline_mode = #tpu.pipeline_mode<synchronous>, transform_indices = @transform_11, window_bounds = array<i64: 8, 128>}]} {
    %get3A = arith.constant 0 : index
    %get3A_0 = arith.constant 0 : index
    %get3A_1 = vector.load %arg2[%get3A, %get3A_0] : memref<2000x128xf32, #tpu.memory_space<vmem>>, vector<2000x128xf32>
    %get3A_2 = arith.constant 0 : index
    %get3A_3 = arith.constant 0 : index
    %get3A_4 = vector.load %arg3[%get3A_2, %get3A_3] : memref<2000x128xf32, #tpu.memory_space<vmem>>, vector<2000x128xf32>
    %add3A = arith.addf %get3A_1, %get3A_4 : vector<2000x128xf32>
    %get3A_5 = arith.constant 0 : index
    %get3A_6 = arith.constant 0 : index
    %get3A_7 = vector.load %arg1[%get3A_5, %get3A_6] : memref<2000x128xf32, #tpu.memory_space<vmem>>, vector<2000x128xf32>
    %get3A_8 = arith.constant 0 : index
    %get3A_9 = arith.constant 0 : index
    %get3A_10 = vector.load %arg4[%get3A_8, %get3A_9] : memref<128x128xf32, #tpu.memory_space<vmem>>, vector<128x128xf32>
    %dot_general3A = arith.constant dense<0.000000e+00> : vector<2000x128xf32>
    %dot_general3A_11 = tpu.matmul %get3A_7, %get3A_10, %dot_general3A {dimension_numbers = #tpu.dot_dimension_numbers<[1], [0], [0], [1], [0, 0, 1, 1], [], []>, transpose_lhs_hint = false} : vector<2000x128xf32>, vector<128x128xf32>, vector<2000x128xf32> -> vector<2000x128xf32>
    %get3A_12 = arith.constant 0 : index
    %get3A_13 = arith.constant 0 : index
    %get3A_14 = vector.load %arg5[%get3A_12, %get3A_13] : memref<128x128xf32, #tpu.memory_space<vmem>>, vector<128x128xf32>
    %dot_general3A_15 = arith.constant dense<0.000000e+00> : vector<2000x128xf32>
    %dot_general3A_16 = tpu.matmul %add3A, %get3A_14, %dot_general3A_15 {dimension_numbers = #tpu.dot_dimension_numbers<[1], [0], [0], [1], [0, 0, 1, 1], [], []>, transpose_lhs_hint = false} : vector<2000x128xf32>, vector<128x128xf32>, vector<2000x128xf32> -> vector<2000x128xf32>
    %add3A_17 = arith.addf %dot_general3A_11, %dot_general3A_16 : vector<2000x128xf32>
    %get3A_18 = arith.constant 0 : index
    %get3A_19 = arith.constant 0 : index
    %get3A_20 = vector.load %arg6[%get3A_18, %get3A_19] : memref<1x128xf32, #tpu.memory_space<vmem>>, vector<1x128xf32>
    %add3A_21 = vector.broadcast %get3A_20 : vector<1x128xf32> to vector<2000x128xf32>
    %add3A_22 = arith.addf %add3A_17, %add3A_21 : vector<2000x128xf32>
    %max3A = arith.constant 0.000000e+00 : f32
    %max3A_23 = vector.broadcast %max3A : f32 to vector<2000x128xf32>
    %max3A_24 = arith.maximumf %add3A_22, %max3A_23 : vector<2000x128xf32>
    %swap3A = arith.constant 0 : index
    %swap3A_25 = arith.constant 0 : index
    %swap3A_26 = vector.load %arg11[%swap3A, %swap3A_25] : memref<2000x128xf32, #tpu.memory_space<vmem>>, vector<2000x128xf32>
    tpu.vector_store %arg11[%swap3A, %swap3A_25], %max3A_24 {strides = array<i32>} : memref<2000x128xf32, #tpu.memory_space<vmem>>, vector<2000x128xf32>,
    %reduce_sum3A = arith.constant dense<0.000000e+00> : vector<128xf32>
    %reduce_sum3A_27 = vector.multi_reduction <add>, %max3A_24, %reduce_sum3A [0] : vector<2000x128xf32> to vector<128xf32>
    %broadcast_in_dim3A = vector.shape_cast %reduce_sum3A_27 : vector<128xf32> to vector<1x128xf32>
    %eq3A = arith.constant 0 : i32
    %eq3A_28 = arith.cmpi eq, %arg0, %eq3A : i32
    %convert_element_type3A = arith.extui %eq3A_28 : i1 to i32
    %cond3A = arith.constant 0 : i32
    %cond3A_29 = arith.cmpi ne, %convert_element_type3A, %cond3A : i32
    scf.if %cond3A_29 {
      %swap3A_39 = arith.constant 0 : index
      %swap3A_40 = arith.constant 0 : index
      %swap3A_41 = vector.load %arg13[%swap3A_39, %swap3A_40] : memref<1x128xf32, #tpu.memory_space<vmem>>, vector<1x128xf32>
      tpu.vector_store %arg13[%swap3A_39, %swap3A_40], %broadcast_in_dim3A {strides = array<i32>} : memref<1x128xf32, #tpu.memory_space<vmem>>, vector<1x128xf32>,
    } else {
    }
    %gt3A = arith.constant 0 : i32
    %gt3A_30 = arith.cmpi sgt, %arg0, %gt3A : i32
    %convert_element_type3A_31 = arith.extui %gt3A_30 : i1 to i32
    %cond3A_32 = arith.constant 0 : i32
    %cond3A_33 = arith.cmpi ne, %convert_element_type3A_31, %cond3A_32 : i32
    scf.if %cond3A_33 {
      %get3A_39 = arith.constant 0 : index
      %get3A_40 = arith.constant 0 : index
      %get3A_41 = vector.load %arg13[%get3A_39, %get3A_40] : memref<1x128xf32, #tpu.memory_space<vmem>>, vector<1x128xf32>
      %add3A_42 = arith.addf %get3A_41, %broadcast_in_dim3A : vector<1x128xf32>
      %swap3A_43 = arith.constant 0 : index
      %swap3A_44 = arith.constant 0 : index
      %swap3A_45 = vector.load %arg13[%swap3A_43, %swap3A_44] : memref<1x128xf32, #tpu.memory_space<vmem>>, vector<1x128xf32>
      tpu.vector_store %arg13[%swap3A_43, %swap3A_44], %add3A_42 {strides = array<i32>} : memref<1x128xf32, #tpu.memory_space<vmem>>, vector<1x128xf32>,
    } else {
    }
    %eq3A_34 = arith.constant 4 : i32
    %eq3A_35 = arith.cmpi eq, %arg0, %eq3A_34 : i32
    %convert_element_type3A_36 = arith.extui %eq3A_35 : i1 to i32
    %cond3A_37 = arith.constant 0 : i32
    %cond3A_38 = arith.cmpi ne, %convert_element_type3A_36, %cond3A_37 : i32
    scf.if %cond3A_38 {
      %get3A_39 = arith.constant 0 : index
      %get3A_40 = arith.constant 0 : index
      %get3A_41 = vector.load %arg13[%get3A_39, %get3A_40] : memref<1x128xf32, #tpu.memory_space<vmem>>, vector<1x128xf32>
      %div3A = arith.constant 1.000000e+04 : f32
      %div3A_42 = vector.broadcast %div3A : f32 to vector<1x128xf32>
      %div3A_43 = arith.divf %get3A_41, %div3A_42 : vector<1x128xf32>
      %broadcast_in_dim3A_44 = vector.shape_cast %div3A_43 : vector<1x128xf32> to vector<1x128xf32>
      %broadcast_in_dim3A_45 = vector.broadcast %broadcast_in_dim3A_44 : vector<1x128xf32> to vector<8x128xf32>
      %get3A_46 = arith.constant 0 : index
      %get3A_47 = arith.constant 0 : index
      %get3A_48 = vector.load %arg7[%get3A_46, %get3A_47] : memref<1x128xf32, #tpu.memory_space<vmem>>, vector<1x128xf32>
      %broadcast_in_dim3A_49 = vector.shape_cast %get3A_48 : vector<1x128xf32> to vector<1x128xf32>
      %broadcast_in_dim3A_50 = vector.broadcast %broadcast_in_dim3A_49 : vector<1x128xf32> to vector<8x128xf32>
      %get3A_51 = arith.constant 0 : index
      %get3A_52 = arith.constant 0 : index
      %get3A_53 = vector.load %arg8[%get3A_51, %get3A_52] : memref<128x128xf32, #tpu.memory_space<vmem>>, vector<128x128xf32>
      %dot_general3A_54 = arith.constant dense<0.000000e+00> : vector<8x128xf32>
      %dot_general3A_55 = tpu.matmul %broadcast_in_dim3A_45, %get3A_53, %dot_general3A_54 {dimension_numbers = #tpu.dot_dimension_numbers<[1], [0], [0], [1], [0, 0, 1, 1], [], []>, transpose_lhs_hint = false} : vector<8x128xf32>, vector<128x128xf32>, vector<8x128xf32> -> vector<8x128xf32>
      %get3A_56 = arith.constant 0 : index
      %get3A_57 = arith.constant 0 : index
      %get3A_58 = vector.load %arg9[%get3A_56, %get3A_57] : memref<128x128xf32, #tpu.memory_space<vmem>>, vector<128x128xf32>
      %dot_general3A_59 = arith.constant dense<0.000000e+00> : vector<8x128xf32>
      %dot_general3A_60 = tpu.matmul %broadcast_in_dim3A_50, %get3A_58, %dot_general3A_59 {dimension_numbers = #tpu.dot_dimension_numbers<[1], [0], [0], [1], [0, 0, 1, 1], [], []>, transpose_lhs_hint = false} : vector<8x128xf32>, vector<128x128xf32>, vector<8x128xf32> -> vector<8x128xf32>
      %add3A_61 = arith.addf %dot_general3A_55, %dot_general3A_60 : vector<8x128xf32>
      %get3A_62 = arith.constant 0 : index
      %get3A_63 = arith.constant 0 : index
      %get3A_64 = vector.load %arg10[%get3A_62, %get3A_63] : memref<1x128xf32, #tpu.memory_space<vmem>>, vector<1x128xf32>
      %add3A_65 = vector.broadcast %get3A_64 : vector<1x128xf32> to vector<8x128xf32>
      %add3A_66 = arith.addf %add3A_61, %add3A_65 : vector<8x128xf32>
      %max3A_67 = arith.constant 0.000000e+00 : f32
      %max3A_68 = vector.broadcast %max3A_67 : f32 to vector<8x128xf32>
      %max3A_69 = arith.maximumf %add3A_66, %max3A_68 : vector<8x128xf32>
      %swap3A_70 = arith.constant 0 : index
      %swap3A_71 = arith.constant 0 : index
      %swap3A_72 = vector.load %arg12[%swap3A_70, %swap3A_71] : memref<8x128xf32, #tpu.memory_space<vmem>>, vector<8x128xf32>
      tpu.vector_store %arg12[%swap3A_70, %swap3A_71], %max3A_69 {strides = array<i32>} : memref<8x128xf32, #tpu.memory_space<vmem>>, vector<8x128xf32>,
    } else {
    }
    return
  }
  func.func @transform_0(%arg0: i32) -> (i32, i32) {
    %c0_i32 = arith.constant 0 : i32
    %c0_i32_0 = arith.constant 0 : i32
    return %arg0, %c0_i32 : i32, i32
  }
  func.func @transform_1(%arg0: i32) -> (i32, i32) {
    %c0_i32 = arith.constant 0 : i32
    %c0_i32_0 = arith.constant 0 : i32
    return %arg0, %c0_i32 : i32, i32
  }
  func.func @transform_2(%arg0: i32) -> (i32, i32) {
    %c0_i32 = arith.constant 0 : i32
    %c0_i32_0 = arith.constant 0 : i32
    return %arg0, %c0_i32 : i32, i32
  }
  func.func @transform_3(%arg0: i32) -> (i32, i32) {
    %c0_i32 = arith.constant 0 : i32
    %c0_i32_0 = arith.constant 0 : i32
    %c0_i32_1 = arith.constant 0 : i32
    return %c0_i32, %c0_i32_0 : i32, i32
  }
  func.func @transform_4(%arg0: i32) -> (i32, i32) {
    %c0_i32 = arith.constant 0 : i32
    %c0_i32_0 = arith.constant 0 : i32
    %c0_i32_1 = arith.constant 0 : i32
    return %c0_i32, %c0_i32_0 : i32, i32
  }
  func.func @transform_5(%arg0: i32) -> (i32, i32) {
    %c0_i32 = arith.constant 0 : i32
    %c0_i32_0 = arith.constant 0 : i32
    %c0_i32_1 = arith.constant 0 : i32
    return %c0_i32, %c0_i32_0 : i32, i32
  }
  func.func @transform_6(%arg0: i32) -> (i32, i32) {
    %c0_i32 = arith.constant 0 : i32
    %c0_i32_0 = arith.constant 0 : i32
    %c0_i32_1 = arith.constant 0 : i32
    return %c0_i32, %c0_i32_0 : i32, i32
  }
  func.func @transform_7(%arg0: i32) -> (i32, i32) {
    %c0_i32 = arith.constant 0 : i32
    %c0_i32_0 = arith.constant 0 : i32
    %c0_i32_1 = arith.constant 0 : i32
    return %c0_i32, %c0_i32_0 : i32, i32
  }
  func.func @transform_8(%arg0: i32) -> (i32, i32) {
    %c0_i32 = arith.constant 0 : i32
    %c0_i32_0 = arith.constant 0 : i32
    %c0_i32_1 = arith.constant 0 : i32
    return %c0_i32, %c0_i32_0 : i32, i32
  }
  func.func @transform_9(%arg0: i32) -> (i32, i32) {
    %c0_i32 = arith.constant 0 : i32
    %c0_i32_0 = arith.constant 0 : i32
    %c0_i32_1 = arith.constant 0 : i32
    return %c0_i32, %c0_i32_0 : i32, i32
  }
  func.func @transform_10(%arg0: i32) -> (i32, i32) {
    %c0_i32 = arith.constant 0 : i32
    %c0_i32_0 = arith.constant 0 : i32
    return %arg0, %c0_i32 : i32, i32
  }
  func.func @transform_11(%arg0: i32) -> (i32, i32) {
    %c0_i32 = arith.constant 0 : i32
    %c0_i32_0 = arith.constant 0 : i32
    %c0_i32_1 = arith.constant 0 : i32
    return %c0_i32, %c0_i32_0 : i32, i32
  }
}

</mosaic_0001>

<sc_bundles>
// kernel: kernel.6.cloned.1.call-start
scs
__scs_entry_jumppad:
0x0: {  	(pc) =	sbr.rel $0x88, $3  }
0x1: {  	(tag) =	ssettag $0x0;
	lr =	simm.s32 $0x1  }
0x2: {  	[smem:$0x3F97] =	sst lr;
	_ =	strace $0xD0000000  }
0x3: {  	_ = 	snop  }
0x4: {  	_ = 	snop  }
0x5: {  	_ = 	snop  }
0x6: {  	_ = 	snop  }
0x7: {  	_ = 	snop  }
__scs_overlays_trampoline_lowered:
0x8: {  	[smem:$0x3FA6] =	sst s0  }
0x9: {  	[smem:$0x3FA7] =	sst s1  }
0xa: {  	[smem:$0x3FA8] =	sst s2  }
0xb: {  	[smem:$0x3FA9] =	sst s3  }
0xc: {  	[smem:$0x3FAA] =	sst s4  }
0xd: {  	[smem:$0x3FAB] =	sst s5  }
0xe: {  	[smem:$0x3FAC] =	sst s6  }
0xf: {  	[smem:$0x3FAD] =	sst s7  }
0x10: {  	[smem:$0x3FAE] =	sst s8  }
0x11: {  	[smem:$0x3FAF] =	sst s9;
	s0 =	simm.s32 @!p0 $0x0  }
0x12: {  	s1 =	sld [smem:$0x3F95];
	s0 =	simm.s32 @p0 $0x1  }
0x13: {  	[smem:$0x3FB0] =	sst s0;
	s0 =	simm.s32 @!p1 $0x0  }
0x14: {  	s2 =	sld [smem:$0x3F94];
	s0 =	simm.s32 @p1 $0x1  }
0x15: {  	[smem:$0x3FB1] =	sst s0;
	s0 =	simm.s32 @!p2 $0x0  }
0x16: {  	s3 =	sld [smem:$0x3FDB];
	s0 =	simm.s32 @p2 $0x1  }
0x17: {  	s4 =	simm.s32 $0x1BF5;
	[smem:$0x3FB3] =	sst s0  }
0x18: {  	s0 =	sld [smem:$0x3F96];
	_ =	swait.ge [sflag:s4], $0x0  }
0x19: {  	s7 =	sld [smem:$0x3F97]  }
0x1a: {  	s8 =	sadd.s32 $0xFFFFE003, lr  }
0x1b: {  	s9 =	sadd.s32 $0xFFFFFEF7, lr;
	s5 =	simm.s32 $0xFFFFFFFF;
	p2 =	slt.u32 s8, $0xFFFFF086  }
0x1c: {  	p1 =	slt.u32 s9, $0xF7A;
	s5 =	simm.s32 @!p2 $0x0  }
0x1d: {  	s5 =	simm.s32 @p1 $0x1;
	p0 =	seq.s32 s7, s2  }
0x1e: {  	s7 =	smul.u32 @!p0 $0xF7A, s2;
	p2 =	seq.s32 @!p0 s5, $0x0  }
0x1f: {  	s9 =	smul.u32 $0xF7A, s1;
	s8 =	simm.s32 @!p0 $0x1BF5;
	p2 =	por !p2, p0  }
0x20: {  	[sflag:s8] =	ssyncset.s32 @!p0 $0xFFFFF086;
	s6 =	sadd.s32 @!p0 s3, s7;
	s7 =	simm.s32 @!p0 $0x108  }
0x21: {  	s3 =	sadd.s32 s3, s9;
	s6 =	sadd.s32 @!p0 $0x88, s6;
	s7 =	simm.s32 @p2 $0x1082  }
0x22: {  	[simem:s7], [sflag:s8] =	dma.local @!p0 [hbm:s6], $0xF7A  }
0x23: {  	s9 =	sor.u32 $0xD0000000, s2;
	s6 =	simm.s32 $0x108;
	_ =	swait.ge @!p0 [sflag:s8], $0x0  }
0x24: {  	s3 =	sadd.s32 $0x88, s3;
	s6 =	simm.s32 @!p1 $0x1082;
	[sflag:s4] =	ssyncset.s32 $0xFFFFF086  }
0x25: {  	[simem:s6], [sflag:s4] =	dma.local [hbm:s3], $0xF7A  }
0x26: {  	[smem:$0x3F97] =	sst s1;
	(tag) =	ssettag s2;
	_ =	strace s9  }
0x27: {  	s1 =	sld [smem:$0x3FA7]  }
0x28: {  	s2 =	sld [smem:$0x3FA8]  }
0x29: {  	s4 =	sld [smem:$0x3FAA]  }
0x2a: {  	p0 =	seq.s32 s5, $0x0;
	s5 =	sld [smem:$0x3FAB]  }
0x2b: {  	s6 =	sld [smem:$0x3FAC]  }
0x2c: {  	s7 =	sld [smem:$0x3FAD]  }
0x2d: {  	s3 =	simm.s32 $0x108;
	s8 =	sld [smem:$0x3FAE]  }
0x2e: {  	s3 =	simm.s32 @!p0 $0x1082;
	s9 =	sld [smem:$0x3FAF]  }
0x2f: {  	lr =	sadd.s32 s0, s3;
	s0 =	sld [smem:$0x3FA6]  }
0x30: {  	s3 =	sld [smem:$0x3FA9]  }
0x31: {  	[smem:$0x3FB2] =	sst s10  }
0x32: {  	s10 =	sld [smem:$0x3FB0];
	_ =	sdelay $0x3  }
0x33: {  	p0 =	seq.s32 s10, $0x1;
	s10 =	sld [smem:$0x3FB2];
	_ =	sdelay $0x3  }
0x34: {  	[smem:$0x3FB2] =	sst s10  }
0x35: {  	s10 =	sld [smem:$0x3FB1];
	_ =	sdelay $0x3  }
0x36: {  	p1 =	seq.s32 s10, $0x1;
	s10 =	sld [smem:$0x3FB2];
	_ =	sdelay $0x3  }
0x37: {  	[smem:$0x3FB2] =	sst s10  }
0x38: {  	s10 =	sld [smem:$0x3FB3]  }
0x39: {  	_ = 	snop;
	(pc) =	sbr.ind lr, $3  }
0x3a: {  	_ = 	snop  }
0x3b: {  	_ = 	snop  }
0x3c: {  	p2 =	seq.s32 s10, $0x1;
	s10 =	sld [smem:$0x3FB2]  }
0x3d: {  	_ =	shalt  }
0x3e: {  	_ =	shalt  }
0x3f: {  	_ =	shalt  }
0x40: {  	_ =	shalt  }
0x41: {  	_ =	shalt  }
0x42: {  	_ =	shalt  }
0x43: {  	_ =	shalt  }
0x44: {  	_ =	shalt  }
0x45: {  	_ =	shalt  }
0x46: {  	_ =	shalt  }
0x47: {  	_ =	shalt  }
0x48: {  	_ =	shalt  }
0x49: {  	_ =	shalt  }
0x4a: {  	_ =	shalt  }
0x4b: {  	_ =	shalt  }
0x4c: {  	_ =	shalt  }
0x4d: {  	_ =	shalt  }
0x4e: {  	_ =	shalt  }
0x4f: {  	_ =	shalt  }
0x50: {  	_ =	shalt  }
0x51: {  	_ =	shalt  }
0x52: {  	_ =	shalt  }
0x53: {  	_ =	shalt  }
0x54: {  	_ =	shalt  }
0x55: {  	_ =	shalt  }
0x56: {  	_ =	shalt  }
0x57: {  	_ =	shalt  }
0x58: {  	_ =	shalt  }
0x59: {  	_ =	shalt  }
0x5a: {  	_ =	shalt  }
0x5b: {  	_ =	shalt  }
0x5c: {  	_ =	shalt  }
0x5d: {  	_ =	shalt  }
0x5e: {  	_ =	shalt  }
0x5f: {  	_ =	shalt  }
0x60: {  	_ =	shalt  }
0x61: {  	_ =	shalt  }
0x62: {  	_ =	shalt  }
0x63: {  	_ =	shalt  }
0x64: {  	_ =	shalt  }
0x65: {  	_ =	shalt  }
0x66: {  	_ =	shalt  }
0x67: {  	_ =	shalt  }
0x68: {  	_ =	shalt  }
0x69: {  	_ =	shalt  }
0x6a: {  	_ =	shalt  }
0x6b: {  	_ =	shalt  }
0x6c: {  	_ =	shalt  }
0x6d: {  	_ =	shalt  }
0x6e: {  	_ =	shalt  }
0x6f: {  	_ =	shalt  }
0x70: {  	_ =	shalt  }
0x71: {  	_ =	shalt  }
0x72: {  	_ =	shalt  }
0x73: {  	_ =	shalt  }
0x74: {  	_ =	shalt  }
0x75: {  	_ =	shalt  }
0x76: {  	_ =	shalt  }
0x77: {  	_ =	shalt  }
0x78: {  	_ =	shalt  }
0x79: {  	_ =	shalt  }
0x7a: {  	_ =	shalt  }
0x7b: {  	_ =	shalt  }
0x7c: {  	_ =	shalt  }
0x7d: {  	_ =	shalt  }
0x7e: {  	_ =	shalt  }
0x7f: {  	_ =	shalt  }
0x80: {  	_ =	shalt  }
0x81: {  	_ =	shalt  }
0x82: {  	_ =	shalt  }
0x83: {  	_ =	shalt  }
0x84: {  	_ =	shalt  }
0x85: {  	_ =	shalt  }
0x86: {  	_ =	shalt  }
0x87: {  	_ =	shalt  }
.Lfunc_end0:
.L_simem_size_0:
called_computation_lowered:
.L_overlay_start_0:
0x88: {  	s2 =	sld [smem:$0x3FD9]  }
0x89: {  	s3 =	sld [smem:$0x3FFE];
	_ =	sdelay $0x1  }
0x8a: {  	s1 =	srdreg.scid  }
0x8b: {  	s0 =	sand.u32 $0x1, s1  }
0x8c: {  	s14 =	sshll.u32 s0, $0xA;
	s2 =	sadd.s32 s3, s2  }
0x8d: {  	s2 =	sadd.s32 s2, s14  }
0x8e: {  	[smem:$0x3FBE] =	sst s2  }
0x8f: {  	_ = 	snop  }
0x90: {  	s2 =	sld [smem:$0x3FD0];
	_ =	sdelay $0x2  }
0x91: {  	s15 =	simm.s32 $0xA;
	s4 =	simm.s32 $0x10  }
0x92: {  	[smem:s4], [sflag:s15] =	dma.local [hbm:s2], $0x1  }
0x93: {  	_ =	swait.eq [sflag:s15], $0x1  }
0x94: {  	[sflag:s15] =	ssyncset.done $0x0  }
0x95: {  	s16 =	sld [smem:$0x10];
	[sflag:s15] =	ssyncadd.s32 $0xFFFFFFFF  }
0x96: {  	s17 =	sld [smem:$0x11];
	(tm) =	ssettm $0x1  }
0x97: {  	s18 =	sld [smem:$0x3FFB];
	_ =	sdelay $0x3  }
0x98: {  	_ =	strace s18  }
0x99: {  	s4 =	sld [smem:$0x3FFC];
	_ =	sdelay $0x3  }
0x9a: {  	_ =	strace s4  }
0x9b: {  	s4 =	sld [smem:$0x3FFD];
	_ =	sdelay $0x3  }
0x9c: {  	_ =	strace s4  }
0x9d: {  	_ =	strace $0x8FFFFFFF  }
0x9e: {  	s19 =	sld [smem:$0x3FDB];
	_ =	sdelay $0x1  }
0x9f: {  	s5 =	simm.s32 $_scs_section_size  }
0xa0: {  	s6 =	simm.s32 $_size__tile_overlayer_lowered;
	s7 =	simm.s32 $_tile_overlayer_lowered  }
0xa1: {  	s22 =	simm.s32 $0x1BFF;
	s21 =	sshll.u32 s7, $0x1;
	s4 =	sadd.s32 s5, s19  }
0xa2: {  	s8 =	simm.s32 $0x0;
	s20 =	sshll.u32 s6, $0x1;
	s6 =	sadd.s32 s21, s4  }
0xa3: {  	[timem:s8], [sflag:s22] =	dma.local [hbm:s6], s20  }
0xa4: {  	_ =	swait.ge [sflag:s22], s20  }
0xa5: {  	s5 =	ssub.s32 $0x0, s20;
	[sflag:s22] =	ssyncset.done $0x0  }
0xa6: {  	[sflag:s22] =	ssyncadd.s32 s5;
	_ =	sdelay $0x1  }
0xa7: {  	s23 =	simm.s32 $0x1B8B  }
0xa8: {  	_ =	swait.ge [sflag:s23], $0x1  }
0xa9: {  	[sflag:s23] =	ssyncset.done $0x0  }
0xaa: {  	s25 =	simm.s32 $0x1B8E;
	s24 =	sld [smem:$0x3FFE];
	[sflag:s23] =	ssyncadd.s32 $0xFFFFFFFF  }
0xab: {  	s26 =	simm.s32 $execute0_lowered;
	[smem:$0x3FD2] =	sst s25  }
0xac: {  	s6 =	sshll.u32 s26, $0x1;
	_ =	strace $0x80000046;
	[dreg:$0x1] =	wrdreg $0xFFFFFFFF  }
0xad: {  	s28 =	simm.s32 $_size_execute0_lowered;
	s4 =	sadd.s32 s4, s6;
	[dreg:$0x0] =	wrdreg $0x0  }
0xae: {  	s6 =	sshll.u32 s28, $0x1;
	[dreg:$0x2] =	wrdreg s4  }
0xaf: {  	[dreg:$0x3] =	wrdreg s6  }
0xb0: {  	[dreg:$0x4] =	wrdreg $0xC0  }
0xb1: {  	_ =	task [dreg:s8], $0x5FFFF  }
0xb2: {  	[dreg:$0x1] =	wrdreg $0xFFFFFFFF  }
0xb3: {  	[dreg:$0x0] =	wrdreg $0x60  }
0xb4: {  	[dreg:$0x2] =	wrdreg s16  }
0xb5: {  	[dreg:$0x3] =	wrdreg s24  }
0xb6: {  	[dreg:$0x4] =	wrdreg s17  }
0xb7: {  	[dreg:$0x5] =	wrdreg $0xB9000  }
0xb8: {  	[dreg:$0x6] =	wrdreg $0x9  }
0xb9: {  	_ =	task.clear_ibuf [dreg:s8], $0x7FFFF;
	_ =	strace $0x90000046  }
0xba: {  	s29 =	simm.s32 $0x9;
	_ =	strace $0x80000048  }
0xbb: {  	_ =	swait.ge [sflag:s29], $0x1  }
0xbc: {  	[sflag:s29] =	ssyncadd.s32 $0xFFFFFFFF  }
0xbd: {  	_ =	strace $0x90000048  }
0xbe: {  	_ =	sfence  }
0xbf: {  	s30 =	sld [smem:$0x0];
	_ =	sdelay $0x2  }
0xc0: {  	s31 =	sshll.u32 s1, $0xD;
	s1 =	sshrl.u32 s1, $0x2  }
0xc1: {  	s3 =	sand.u32 $0x4000, s31;
	s1 =	sadd.s32 s1, s30  }
0xc2: {  	s0 =	sor.u32 s3, s0;
	s1 =	sshll.u32 s1, $0x11  }
0xc3: {  	s0 =	sor.u32 s1, s0  }
0xc4: {  	s0 =	sadd.s32 $0x8F2B, s0  }
0xc5: {  	[sflag:s0] =	ssyncadd.remote.s32 $0x1  }
0xc6: {  	_ =	sfence.sel $0xFFFF  }
0xc7: {  	[dreg:$0x0] =	wrdreg $0xFFFFFFFF;
	(pc) =	sbr.abs _section_cstart, $3  }
0xc8: {  	[dreg:$0x1] =	wrdreg $0xFFFFFFFF  }
0xc9: {  	_ =	task.clear_ibuf [dreg:s8], $0x2FFFF;
	_ =	strace $0x9FFFFFFF  }
0xca: {  	(tm) =	ssettm $0x7FFFFFFF  }
0xcb: {  	_ =	shalt  }
tec
execute0_lowered:
.L_overlay_start_1:
0x0: {  	(tag) =	ssettag $0x1  }
0x1: {  	s1 =	rddreg [dreg:$0x0]  }
0x2: {  	s8 =	rddreg [dreg:$0x1]  }
0x3: {  	s14 =	rddreg [dreg:$0x2]  }
0x4: {  	s2 =	rddreg [dreg:$0x3]  }
0x5: {  	s0 =	rddreg [dreg:$0x4];
	s3 =	simm.s32 $0x0  }
0x6: {  	s6 =	srdreg.scid;
	s4 =	stileid.u32;
	s18 =	simm.s32 $0x80  }
0x7: {  	s19 =	simm.s32 $0x50;
	s20 =	simm.s32 $0x100;
	s21 =	simm.s32 $0x2900  }
0x8: {  	s22 =	simm.s32 $0x5100;
	s23 =	simm.s32 $0x1;
	s24 =	simm.s32 $0x2  }
0x9: {  	s25 =	simm.s32 $0x3;
	s10 =	sand.u32 $0x1, s6;
	s6 =	sadd.s32 $0x4F8400, s8  }
0xa: {  	[smem:$0x7FF] =	sst s3;
	s11 =	smul.u32 $0x4F000, s4;
	s7 =	sadd.s32 $0x4EE600, s8  }
0xb: {  	s5 =	sadd.s32 $0x2800, s8;
	s8 =	sadd.s32 $0x4E4800, s8;
	s16 =	smul.u32 $0x2780, s4  }
0xc: {  	s31 =	sshll.u32 s4, $0x1;
	_ =	strace $0x80000047;
	s9 =	ssub.s32 $0x2, s10  }
0xd: {  	s17 =	smul.u32 $0x27800, s10;
	s13 =	sor.u32 s10, s31;
	s12 =	sshrl.u32 s9, $0x1  }
0xe: {  	s30 =	sshrl.u32 s11, $0x2;
	s13 =	smul.u32 $0x2710, s13;
	s15 =	ssub.s32 s9, s12  }
0xf: {  	s9 =	sadd.s32 s30, s2;
	s16 =	sadd.s32 s16, s17;
	s17 =	simm.s32 $0x4  }
0x10: {  	s10 =	sadd.s32 $0x4000, s9;
	s11 =	sadd.s32 $0x8000, s9;
	s12 =	sadd.s32 $0xC000, s9  }
0x11: {  	v0 =	vimm.f32 $0.0e+00;
	s14 =	sadd.s32 s14, s16;
	s15 =	smax.u32 s15, $0x1;
	s16 =	simm.s32 $0x7900  }
.LBB2_1:
0x12: {  	s26 =	simm.s32 $0x0;
	s28 =	simm.s32 $0x200  }
.LBB2_2:
0x13: {  	p0 =	sne.s32 s28, $0xFE00;
	[tilespmem:s26+$0x7970] =	vst v0  }
0x14: {  	[tilespmem:s26+$0x7900] =	vst v0  }
0x15: {  	[tilespmem:s26+$0x7910] =	vst v0  }
.Ltmp0:
0x16: {  	[tilespmem:s26+$0x7920] =	vst v0;
	(pc) =	sbr.rel @p0 .LBB2_2-.Ltmp0, $4  }
0x17: {  	[tilespmem:s26+$0x7930] =	vst v0  }
0x18: {  	[tilespmem:s26+$0x7940] =	vst v0  }
0x19: {  	[tilespmem:s26+$0x7950] =	vst v0  }
0x1a: {  	[tilespmem:s26+$0x7960] =	vst v0;
	s26 =	sshra.s32 s28, $0x2;
	s28 =	sadd.s32 $0x200, s28  }
0x1b: {  	[tilespmem:s26+$0x7970] =	vst v0  }
0x1c: {  	[tilespmem:s26+$0x7900] =	vst v0  }
0x1d: {  	[tilespmem:s26+$0x7910] =	vst v0  }
0x1e: {  	[tilespmem:s26+$0x7920] =	vst v0  }
0x1f: {  	[tilespmem:s26+$0x7930] =	vst v0  }
0x20: {  	[tilespmem:s26+$0x7940] =	vst v0  }
0x21: {  	[tilespmem:s26+$0x7950] =	vst v0  }
0x22: {  	[tilespmem:s26+$0x7960] =	vst v0  }
0x23: {  	[spmem:s9] =	stream.linear.scatter [tilespmem:s16], [sflag:$0x4], $0x4000, $0x38;
	[tilespmem:$0x1F500] =	vst v63  }
0x24: {  	_ =	swait.ge [sflag:s17], $0x4000  }
0x25: {  	[sflag:s17] =	ssyncset.done $0x0  }
0x26: {  	[sflag:s17] =	ssyncadd.s32 $0xFFFFC000  }
0x27: {  	[spmem:s10] =	stream.linear.scatter [tilespmem:s16], [sflag:$0x4], $0x4000, $0x38;
	[tilespmem:$0x1F500] =	vst v63  }
0x28: {  	_ =	swait.ge [sflag:s17], $0x4000  }
0x29: {  	[sflag:s17] =	ssyncset.done $0x0  }
0x2a: {  	[sflag:s17] =	ssyncadd.s32 $0xFFFFC000  }
0x2b: {  	[spmem:s11] =	stream.linear.scatter [tilespmem:s16], [sflag:$0x4], $0x4000, $0x38;
	[tilespmem:$0x1F500] =	vst v63  }
0x2c: {  	_ =	swait.ge [sflag:s17], $0x4000  }
0x2d: {  	[sflag:s17] =	ssyncset.done $0x0  }
0x2e: {  	[sflag:s17] =	ssyncadd.s32 $0xFFFFC000  }
0x2f: {  	[spmem:s12] =	stream.linear.scatter [tilespmem:s16], [sflag:$0x4], $0x4000, $0x38;
	[tilespmem:$0x1F500] =	vst v63  }
0x30: {  	_ =	swait.ge [sflag:s17], $0x4000  }
0x31: {  	[sflag:s17] =	ssyncset.done $0x0  }
0x32: {  	[sflag:s17] =	ssyncadd.s32 $0xFFFFC000  }
0x33: {  	s26 =	simm.s32 $0x0;
	s28 =	simm.s32 $0x0;
	[bflag:$0x0] =	sbarrier.arrive $0xFFFF  }
.LBB2_4:
0x34: {  	s29 =	smul.u32 $0x50, s28;
	_ =	sdelay $0x1  }
0x35: {  	s29 =	sadd.s32 s13, s29  }
0x36: {  	s30 =	sshrl.u32 s29, $0x3  }
0x37: {  	s31 =	sadd.s32 s7, s30  }
0x38: {  	[tilespmem:s26], [sflag:$0x4] =	stream.linear.gather [hbm4b:s31+s26], $0x50, $0x38;
	[tilespmem:$0x1F500] =	vst v63  }
0x39: {  	_ =	swait.ge [sflag:s17], $0x50  }
0x3a: {  	[sflag:s17] =	ssyncset.done $0x0  }
0x3b: {  	s30 =	sadd.s32 s8, s30;
	[sflag:s17] =	ssyncadd.s32 $0xFFFFFFB0  }
0x3c: {  	[tilespmem:s18], [sflag:$0x4] =	stream.linear.gather [hbm4b:s30+s26], $0x50, $0x38;
	[tilespmem:$0x1F500] =	vst v63  }
0x3d: {  	_ =	swait.ge [sflag:s17], $0x50  }
0x3e: {  	[sflag:s17] =	ssyncset.done $0x0  }
0x3f: {  	[sflag:s17] =	ssyncadd.s32 $0xFFFFFFB0  }
0x40: {  	[tilespmem:s20], [sflag:$0x1] =	stream.indirect.gather [hbm4b:s1+s19], $0x80, s26, s19, $0xb8;
	[tilespmem:$0x1F500] =	vst v63  }
0x41: {  	s29 =	sshll.u32 s29, $0x4  }
0x42: {  	[tilespmem:s21], [sflag:$0x2] =	stream.indirect.gather [hbm4b:s5+s19], $0x80, s18, s19, $0xb8;
	[tilespmem:$0x1F500] =	vst v63  }
0x43: {  	s29 =	sadd.s32 s6, s29  }
0x44: {  	[tilespmem:s22], [sflag:$0x3] =	stream.linear.gather [hbm4b:s29+s26], $0x2800, $0x38;
	[tilespmem:$0x1F500] =	vst v63  }
0x45: {  	_ =	swait.ge [sflag:s23], $0x2800  }
0x46: {  	[sflag:s23] =	ssyncset.done $0x0  }
0x47: {  	[sflag:s23] =	ssyncadd.s32 $0xFFFFD800  }
0x48: {  	_ =	swait.ge [sflag:s24], $0x2800  }
0x49: {  	[sflag:s24] =	ssyncset.done $0x0  }
0x4a: {  	[sflag:s24] =	ssyncadd.s32 $0xFFFFD800  }
0x4b: {  	_ =	swait.ge [sflag:s25], $0x2800  }
0x4c: {  	[sflag:s25] =	ssyncset.done $0x0  }
0x4d: {  	s29 =	simm.s32 $0x0;
	[sflag:s25] =	ssyncadd.s32 $0xFFFFD800  }
0x4e: {  	v5 =	vld [tilespmem:s29+$0x2900]  }
0x4f: {  	v6 =	vld [tilespmem:s29+$0x2910]  }
0x50: {  	v4 =	vld [tilespmem:s29+$0x2920]  }
0x51: {  	v3 =	vld [tilespmem:s29+$0x2930]  }
0x52: {  	v2 =	vld [tilespmem:s29+$0x2940]  }
0x53: {  	v1 =	vld [tilespmem:s29+$0x2950]  }
0x54: {  	v13 =	vld [tilespmem:s29+$0x100]  }
0x55: {  	v18 =	vld [tilespmem:s29+$0x110]  }
0x56: {  	v12 =	vld [tilespmem:s29+$0x120]  }
0x57: {  	v11 =	vld [tilespmem:s29+$0x130]  }
0x58: {  	v10 =	vld [tilespmem:s29+$0x140]  }
0x59: {  	v9 =	vld [tilespmem:s29+$0x150]  }
0x5a: {  	v8 =	vld [tilespmem:s29+$0x160]  }
0x5b: {  	v7 =	vld [tilespmem:s29+$0x170]  }
0x5c: {  	v19 =	vld [tilespmem:s29+$0x5100]  }
0x5d: {  	v20 =	vld [tilespmem:s29+$0x5110]  }
0x5e: {  	v17 =	vld [tilespmem:s29+$0x5120]  }
0x5f: {  	v16 =	vld [tilespmem:s29+$0x5130]  }
0x60: {  	v15 =	vld [tilespmem:s29+$0x5140]  }
0x61: {  	v14 =	vld [tilespmem:s29+$0x5150];
	v19 =	vadd.f32 v13, v19  }
0x62: {  	s30 =	simm.s32 $0x200;
	v18 =	vadd.f32 v18, v20;
	v13 =	vld [tilespmem:s29+$0x5160]  }
.LBB2_5:
0x63: {  	p0 =	sne.s32 s30, $0x9E00;
	v5 =	vadd.f32 v5, v19;
	v12 =	vadd.f32 v12, v17;
	v17 =	vld [tilespmem:s29+$0x5170]  }
0x64: {  	v6 =	vadd.f32 v6, v18;
	v11 =	vadd.f32 v11, v16;
	v16 =	vld [tilespmem:s29+$0x2960]  }
0x65: {  	s31 =	sshra.s32 s30, $0x2;
	v18 =	vmax.f32 v5, $0.0e+00;
	v4 =	vadd.f32 v4, v12;
	v10 =	vadd.f32 v10, v15;
	v12 =	vld [tilespmem:s29+$0x2970]  }
0x66: {  	v5 =	vld [tilespmem:s31+$0x2900];
	[tilespmem:s29+$0x5100] =	vst v18;
	v15 =	vmax.f32 v6, $0.0e+00;
	v3 =	vadd.f32 v3, v11;
	v9 =	vadd.f32 v9, v14  }
0x67: {  	v6 =	vld [tilespmem:s31+$0x2910];
	[tilespmem:s29+$0x5110] =	vst v15;
	v11 =	vmax.f32 v4, $0.0e+00;
	v2 =	vadd.f32 v2, v10;
	v8 =	vadd.f32 v8, v13  }
0x68: {  	v4 =	vld [tilespmem:s31+$0x2920];
	[tilespmem:s29+$0x5120] =	vst v11;
	v10 =	vmax.f32 v3, $0.0e+00;
	v1 =	vadd.f32 v1, v9;
	v7 =	vadd.f32 v7, v17  }
0x69: {  	v3 =	vld [tilespmem:s31+$0x2930];
	[tilespmem:s29+$0x5130] =	vst v10;
	v9 =	vmax.f32 v2, $0.0e+00;
	v8 =	vadd.f32 v16, v8  }
0x6a: {  	v2 =	vld [tilespmem:s31+$0x2940];
	[tilespmem:s29+$0x5140] =	vst v9;
	v9 =	vmax.f32 v1, $0.0e+00;
	v7 =	vadd.f32 v12, v7  }
0x6b: {  	v1 =	vld [tilespmem:s31+$0x2950];
	[tilespmem:s29+$0x5150] =	vst v9;
	v8 =	vmax.f32 v8, $0.0e+00  }
0x6c: {  	v13 =	vld [tilespmem:s31+$0x100];
	[tilespmem:s29+$0x5160] =	vst v8;
	v7 =	vmax.f32 v7, $0.0e+00  }
0x6d: {  	v18 =	vld [tilespmem:s31+$0x110];
	[tilespmem:s29+$0x5170] =	vst v7;
	s29 =	smov.u32 s31  }
0x6e: {  	v12 =	vld [tilespmem:s29+$0x120]  }
0x6f: {  	v11 =	vld [tilespmem:s29+$0x130]  }
0x70: {  	v10 =	vld [tilespmem:s29+$0x140]  }
0x71: {  	v9 =	vld [tilespmem:s29+$0x150]  }
0x72: {  	v8 =	vld [tilespmem:s29+$0x160]  }
0x73: {  	v7 =	vld [tilespmem:s29+$0x170]  }
0x74: {  	v14 =	vld [tilespmem:s29+$0x5100]  }
0x75: {  	v20 =	vld [tilespmem:s29+$0x5110]  }
.Ltmp1:
0x76: {  	v17 =	vld [tilespmem:s29+$0x5120];
	(pc) =	sbr.rel @p0 .LBB2_5-.Ltmp1, $4  }
0x77: {  	v16 =	vld [tilespmem:s29+$0x5130]  }
0x78: {  	v15 =	vld [tilespmem:s29+$0x5140]  }
0x79: {  	v19 =	vadd.f32 v13, v14;
	v14 =	vld [tilespmem:s29+$0x5150]  }
0x7a: {  	s30 =	sadd.s32 $0x200, s30;
	v18 =	vadd.f32 v18, v20;
	v13 =	vld [tilespmem:s29+$0x5160]  }
0x7b: {  	v5 =	vadd.f32 v5, v19;
	v12 =	vadd.f32 v12, v17;
	v57 =	vld [tilespmem:s29+$0x5170]  }
0x7c: {  	v58 =	vld [tilespmem:s29+$0x2960];
	v6 =	vadd.f32 v6, v18;
	v11 =	vadd.f32 v11, v16  }
0x7d: {  	v59 =	vld [tilespmem:s29+$0x2970];
	v5 =	vmax.f32 v5, $0.0e+00;
	v4 =	vadd.f32 v4, v12;
	v10 =	vadd.f32 v10, v15  }
0x7e: {  	[tilespmem:s29+$0x5100] =	vst v5;
	v60 =	vmax.f32 v6, $0.0e+00;
	v3 =	vadd.f32 v3, v11;
	v61 =	vadd.f32 v9, v14  }
0x7f: {  	[tilespmem:s29+$0x5110] =	vst v60;
	v4 =	vmax.f32 v4, $0.0e+00;
	v2 =	vadd.f32 v2, v10;
	v62 =	vadd.f32 v8, v13  }
0x80: {  	[tilespmem:s29+$0x5120] =	vst v4;
	v3 =	vmax.f32 v3, $0.0e+00;
	v1 =	vadd.f32 v1, v61;
	v63 =	vadd.f32 v7, v57  }
0x81: {  	[tilespmem:s29+$0x5130] =	vst v3;
	v2 =	vmax.f32 v2, $0.0e+00;
	v3 =	vadd.f32 v58, v62  }
0x82: {  	[tilespmem:s29+$0x5140] =	vst v2;
	v1 =	vmax.f32 v1, $0.0e+00;
	v2 =	vadd.f32 v59, v63  }
0x83: {  	s28 =	sadd.s32 $0x1, s28;
	[tilespmem:s29+$0x5150] =	vst v1;
	v1 =	vmax.f32 v3, $0.0e+00  }
0x84: {  	p0 =	sne.s32 s28, $0x7D;
	[tilespmem:s29+$0x5160] =	vst v1;
	v1 =	vmax.f32 v2, $0.0e+00  }
.Ltmp2:
0x85: {  	[tilespmem:s29+$0x5170] =	vst v1;
	(pc) =	sbr.rel @p0 .LBB2_4-.Ltmp2, $4  }
0x86: {  	[spmem:s2] =	stream.indirect.scatter.add.f32 [tilespmem:s22], [sflag:$0x4], $0x80, s18, s19, $0xb8;
	[tilespmem:$0x1F500] =	vst v63  }
0x87: {  	_ =	swait.ge [sflag:s17], $0x2800  }
0x88: {  	[sflag:s17] =	ssyncset.done $0x0  }
0x89: {  	[sflag:s17] =	ssyncadd.s32 $0xFFFFD800  }
0x8a: {  	s3 =	sadd.s32 $0x1, s3  }
0x8b: {  	s26 =	sshll.u32 s4, $0x6;
	[bflag:$0x0] =	sbarrier.arrive $0xFFFF;
	p0 =	sne.s32 s3, s15  }
.Ltmp3:
0x8c: {  	s28 =	sshrl.u32 s9, $0x3;
	s26 =	sor.u32 $0x1C04, s26;
	(pc) =	sbr.rel @p0 .LBB2_1-.Ltmp3, $4  }
0x8d: {  	[hbm:s14], [sflag:s26] =	dma.local [spmem:s28], $0x2780  }
0x8e: {  	_ =	swait.ge [sflag:s17], $0x2780  }
0x8f: {  	[sflag:s17] =	ssyncset.done $0x0  }
0x90: {  	[sflag:s17] =	ssyncadd.s32 $0xFFFFD880  }
0x91: {  	_ =	sfence.sel $0x180000  }
0x92: {  	[bflag:$0x0] =	sbarrier.arrive $0xFFFF  }
0x93: {  	p0 =	sne.s32 s4, $0x0;
	_ =	strace $0x90000047  }
0x94: {  	s0 =	sadd.s32 @!p0 $0x100000, s0;
	[bflag:$0x2] =	sbarrier.arrive $0xFFFF  }
0x95: {  	[sflag:s0] =	ssyncadd.tile.s32 @!p0 $0x1;
	_ =	shalt  }
.Lfunc_end2:
_tile_overlayer_lowered:
.L_overlay_start_2:
0x96: {  	(tag) =	ssettag $0x2  }
0x97: {  	s0 =	rddreg [dreg:$0x0];
	s2 =	stileid.u32  }
0x98: {  	s1 =	rddreg [dreg:$0x1];
	p0 =	sne.s32 s2, $0x0  }
0x99: {  	s3 =	rddreg [dreg:$0x2];
	[bflag:$0x3] =	sbarrier.arrive $0xFFFF;
	s2 =	simm.s32 @!p0 $0x1C04  }
0x9a: {  	[timem:s3], [sflag:s2] =	dma.local @!p0 [hbm:s0], s1  }
0x9b: {  	s0 =	simm.s32 @!p0 $0x4  }
0x9c: {  	_ =	swait.ge @!p0 [sflag:s0], s1  }
0x9d: {  	s1 =	ssub.s32 @!p0 $0x0, s1;
	[sflag:s0] =	ssyncset.done @!p0 $0x0  }
0x9e: {  	[sflag:s0] =	ssyncadd.s32 @!p0 s1  }
0x9f: {  	[bflag:$0x3] =	sbarrier.arrive $0xFFFF  }
0xa0: {  	_ =	shalt  }

</sc_bundles>
